<compile_context>
chip_gen: v7x
topology: tpu7x:2x2x1
jax: 0.10.2.dev20260603
libtpu: 0.0.44.dev20260713+nightly
codegen_flags: <defaults>
</compile_context>

<pallas_src>
import jax
import jax.numpy as jnp
from jax import lax
from jax.experimental import pallas as pl
from jax.experimental.pallas import tpu as pltpu
from jax.experimental.pallas import tpu_sc as plsc

D = 2048
L = 16


def _tree_body(x_hbm, w0_hbm, w1_hbm, w2_hbm, a0_hbm, b0_hbm, a1_hbm,
               b1_hbm, a2_hbm, b2_hbm, lf_hbm, out_hbm, xb0, xb1, wb0,
               wb1, pb, shared, cb, tb, gb, pv, ob, sem0, sem1, psem):
    c = lax.axis_index("c")
    s = lax.axis_index("s")

    _pslots = ((a0_hbm, 0, 1), (a1_hbm, 8, 2), (a2_hbm, 16, 4),
               (b0_hbm, 24, 1), (b1_hbm, 32, 2), (b2_hbm, 40, 4),
               (lf_hbm, 48, 8))

    @pl.when((c == 0) & (s == 0))
    def _prefetch_params():
        pv[pl.ds(64, L)] = jnp.zeros((L,), jnp.float32)
        for src, off, n in _pslots:
            pltpu.async_copy(src, pv.at[pl.ds(off, n)], psem)

    def _issue(p, xb, wb, sem):
        q1 = jnp.maximum(p - 9, 0)
        n1 = q1 // 5
        j1 = q1 - n1 * 5
        q2 = jnp.maximum(p - 19, 0)
        n2 = q2 // 3
        j2 = q2 - n2 * 3
        r = jnp.where(
            p < 9, p,
            jnp.where(
                p < 19,
                jnp.where(j1 == 0, 0, jnp.where(n1 == 0, j1, j1 + 4)),
                jnp.where(j2 == 0, 0, 2 * n2 + j2)))

        pltpu.async_copy(x_hbm.at[pl.ds(r * D, D)], xb, sem)

        @pl.when(p < 9)
        def _():
            pltpu.async_copy(w0_hbm.at[pl.ds(p * D, D)], wb, sem)

        @pl.when((p >= 9) & (p < 19))
        def _():
            pltpu.async_copy(w1_hbm.at[pl.ds(n1 * (5 * D) + j1 * D, D)],
                             wb, sem)

        @pl.when(p >= 19)
        def _():
            pltpu.async_copy(w2_hbm.at[pl.ds(n2 * (3 * D) + j2 * D, D)],
                             wb, sem)

    def _dot_publish(p, xb, wb, sem):
        pltpu.make_async_copy(x_hbm.at[pl.ds(0, D)], xb, sem).wait()
        pltpu.make_async_copy(x_hbm.at[pl.ds(0, D)], wb, sem).wait()

        def step(i, acc):
            acc = list(acc)
            o = i * (16 * L)
            for u in range(16):
                acc[u % 4] = acc[u % 4] + (wb[pl.ds(o + u * L, L)] *
                                           xb[pl.ds(o + u * L, L)])
            return tuple(acc)

        z = jnp.zeros((L,), jnp.float32)
        accs = lax.fori_loop(0, D // (16 * L), step, (z, z, z, z))
        accv = (accs[0] + accs[1]) + (accs[2] + accs[3])
        lane = lax.iota(jnp.int32, L)
        for sh in (8, 4, 2, 1):
            tb[...] = accv
            accv = accv + plsc.load_gather(tb, [lane ^ sh])
        pb[...] = accv
        pltpu.sync_copy(pb, shared.at[pl.ds(p * L, L)])

    @pl.when(c == 0)
    def _work():
        bufs = ((2 * s, xb0, wb0, sem0), (2 * s + 1, xb1, wb1, sem1))
        for p, xb, wb, sem in bufs:
            @pl.when(p < 31)
            def _(p=p, xb=xb, wb=wb, sem=sem):
                _issue(p, xb, wb, sem)
        for p, xb, wb, sem in bufs:
            @pl.when(p < 31)
            def _(p=p, xb=xb, wb=wb, sem=sem):
                _dot_publish(p, xb, wb, sem)

    plsc.subcore_barrier()

    @pl.when((c == 0) & (s == 0))
    def _combine():
        pltpu.sync_copy(shared, cb)
        for src, off, n in _pslots:
            pltpu.make_async_copy(src, pv.at[pl.ds(off, n)], psem).wait()

        def rsum(lo, hi):
            vsum = cb[pl.ds(lo * L, L)]
            for i in range(lo + 1, hi):
                vsum = vsum + cb[pl.ds(i * L, L)]
            return vsum

        accs = [rsum(0, 9), rsum(9, 14), rsum(14, 19),
                rsum(19, 22), rsum(22, 25), rsum(25, 28), rsum(28, 31)]
        zvec = jnp.zeros((L,), jnp.float32)
        lane = lax.iota(jnp.int32, L)
        logits = zvec
        for n in range(7):
            logits = jnp.where(lane == n + 1, accs[n], logits)
        idx_a = jnp.where(
            lane == 1, 0,
            jnp.where(lane == 2, 8,
                      jnp.where(lane == 3, 9,
                                jnp.where((lane >= 4) & (lane < 8),
                                          12 + lane, 64))))
        idx_b = jnp.where(
            lane == 1, 24,
            jnp.where(lane == 2, 32,
                      jnp.where(lane == 3, 33,
                                jnp.where((lane >= 4) & (lane < 8),
                                          36 + lane, 64))))
        av = plsc.load_gather(pv, [idx_a])
        bv = plsc.load_gather(pv, [idx_b])
        zg = av * (logits + bv)
        gb[...] = 1.0 / (1.0 + jnp.exp(-zg))
        v0v = plsc.load_gather(gb, [jnp.full((L,), 1, jnp.int32)])
        i1 = jnp.where(lane < 4, 2, 3)
        v1v = plsc.load_gather(gb, [i1])
        i2 = 4 + lane // 2
        v2v = plsc.load_gather(gb, [i2])
        g0 = jnp.where(lane >= 4, v0v, 1.0 - v0v)
        g1 = jnp.where((lane // 2) % 2 == 1, v1v, 1.0 - v1v)
        g2 = jnp.where(lane % 2 == 1, v2v, 1.0 - v2v)
        lf = plsc.load_gather(pv, [jnp.where(lane < 8, 48 + lane, 64)])
        ob[...] = lf * (g0 * g1 * g2)
        pltpu.sync_copy(ob.at[pl.ds(0, 8)], out_hbm)


@jax.jit
def _ddt_sc(xr, w0, w1f, w2f, a0, b0, a1, b1, a2, b2, leaf_probs):
    mesh = plsc.VectorSubcoreMesh(core_axis_name="c", subcore_axis_name="s",
                                  num_cores=1)
    return pl.kernel(
        _tree_body,
        out_type=jax.ShapeDtypeStruct((8,), jnp.float32),
        mesh=mesh,
        compiler_params=pltpu.CompilerParams(needs_layout_passes=False),
        scratch_types=[
            pltpu.VMEM((D,), jnp.float32),
            pltpu.VMEM((D,), jnp.float32),
            pltpu.VMEM((D,), jnp.float32),
            pltpu.VMEM((D,), jnp.float32),
            pltpu.VMEM((L,), jnp.float32),
            pltpu.VMEM_SHARED((32 * L,), jnp.float32),
            pltpu.VMEM((32 * L,), jnp.float32),
            pltpu.VMEM((L,), jnp.float32),
            pltpu.VMEM((L,), jnp.float32),
            pltpu.VMEM((80,), jnp.float32),
            pltpu.VMEM((L,), jnp.float32),
            pltpu.SemaphoreType.DMA,
            pltpu.SemaphoreType.DMA,
            pltpu.SemaphoreType.DMA,
        ],
    )(xr, w0, w1f, w2f, a0, b0, a1, b1, a2, b2, leaf_probs)


def kernel(x, w0, b0, a0, w1, b1, a1, w2, b2, a2, leaf_probs):
    xr = x.reshape(-1)
    w1f = w1.reshape(-1)
    w2f = w2.reshape(-1)
    return _ddt_sc(xr, w0, w1f, w2f, a0, b0, a1, b1, a2, b2, leaf_probs)

# --- scband reference (transcript-rebuilt; emitter-appended) ---
"""Pipeline reference for scband-device-ddtnode-40948218200487 (READ-ONLY COPY).

The authoritative reference and input builder live on the scoring server;
editing this copy changes nothing except your own understanding.
"""

import jax, jax.numpy as jnp
import numpy as np

D = 2048
NUM_DEV = 8
MAX_DEPTH = 3


def setup_inputs(seed: int = 0) -> dict:
    key = jax.random.key(seed)
    ks = jax.random.split(key, 12)
    inp = {}
    inp["x"] = jax.random.normal(ks[0], (1, (1 + NUM_DEV) * D), dtype=jnp.float32)
    # internal node params: depth 0 (1 node, 8 devices), depth 1 (2 nodes, 4 devices),
    # depth 2 (4 nodes, 2 devices). weight len per node = (1 + E_node) * D.
    inp["w0"] = jax.random.normal(ks[1], ((1 + 8) * D,), dtype=jnp.float32) * 0.01
    inp["b0"] = jax.random.normal(ks[2], (1,), dtype=jnp.float32) * 0.01
    inp["a0"] = jnp.ones((1,), dtype=jnp.float32)
    inp["w1"] = jax.random.normal(ks[3], (2, (1 + 4) * D), dtype=jnp.float32) * 0.01
    inp["b1"] = jax.random.normal(ks[4], (2,), dtype=jnp.float32) * 0.01
    inp["a1"] = jnp.ones((2,), dtype=jnp.float32)
    inp["w2"] = jax.random.normal(ks[5], (4, (1 + 2) * D), dtype=jnp.float32) * 0.01
    inp["b2"] = jax.random.normal(ks[6], (4,), dtype=jnp.float32) * 0.01
    inp["a2"] = jnp.ones((4,), dtype=jnp.float32)
    inp["leaf_probs"] = jax.random.normal(ks[7], (NUM_DEV,), dtype=jnp.float32) * 0.01
    return inp


def reference(x, w0, b0, a0, w1, b1, a1, w2, b2, a2, leaf_probs):
    # Soft (differentiable, deterministic) device decision tree: at each internal
    # node compute gate v = sigmoid(alpha * (x @ w + b)); gather the feature block
    # for the global context (row 0) plus the rows of the child's devices (dev+1),
    # recurse into both children, and blend v * right + (1 - v) * left. Leaves
    # return their prob_dist scattered into the global device distribution.

    def node(xf, depth, idx, devices):
        if depth == MAX_DEPTH:
            dev = devices[0]
            return jnp.zeros((NUM_DEV,), dtype=jnp.float32).at[dev].set(leaf_probs[dev])
        if depth == 0:
            w, b, a = w0, b0[0], a0[0]
        elif depth == 1:
            w, b, a = w1[idx], b1[idx], a1[idx]
        else:
            w, b, a = w2[idx], b2[idx], a2[idx]
        E = len(devices)
        v = jax.nn.sigmoid(a * (jnp.dot(xf, w) + b))
        xv = xf.reshape(1 + E, D)
        half = E // 2
        rows_l = jnp.array([0] + [i + 1 for i in range(half)], dtype=jnp.int32)
        rows_r = jnp.array([0] + [i + 1 for i in range(half, E)], dtype=jnp.int32)
        xl = xv[rows_l].reshape(-1)
        xr = xv[rows_r].reshape(-1)
        out_r = node(xr, depth + 1, 2 * idx + 1, devices[half:])
        out_l = node(xl, depth + 1, 2 * idx, devices[:half])
        return v * out_r + (1.0 - v) * out_l

    xf = x.reshape(-1)
    return node(xf, 0, 0, list(range(NUM_DEV)))

if __name__ == "__main__":
    import jax
    _d = setup_inputs()
    print(jax.jit(kernel)(*tuple(_d.values())))

</pallas_src>

<mosaic_0001>
#map = affine_map<(d0, d1) -> (0)>
module attributes {stable_mosaic.version = 14 : i64} {
  func.func @_tree_body(%arg0: i32, %arg1: i32, %arg2: memref<18432xf32, #tpu.memory_space<hbm>>, %arg3: memref<18432xf32, #tpu.memory_space<hbm>>, %arg4: memref<20480xf32, #tpu.memory_space<hbm>>, %arg5: memref<24576xf32, #tpu.memory_space<hbm>>, %arg6: memref<1xf32, #tpu.memory_space<hbm>>, %arg7: memref<1xf32, #tpu.memory_space<hbm>>, %arg8: memref<2xf32, #tpu.memory_space<hbm>>, %arg9: memref<2xf32, #tpu.memory_space<hbm>>, %arg10: memref<4xf32, #tpu.memory_space<hbm>>, %arg11: memref<4xf32, #tpu.memory_space<hbm>>, %arg12: memref<8xf32, #tpu.memory_space<hbm>>, %arg13: memref<8xf32, #tpu.memory_space<hbm>>, %arg14: memref<2048xf32, #tpu.memory_space<vmem>>, %arg15: memref<2048xf32, #tpu.memory_space<vmem>>, %arg16: memref<2048xf32, #tpu.memory_space<vmem>>, %arg17: memref<2048xf32, #tpu.memory_space<vmem>>, %arg18: memref<16xf32, #tpu.memory_space<vmem>>, %arg19: memref<512xf32, #tpu.memory_space<vmem_shared>>, %arg20: memref<512xf32, #tpu.memory_space<vmem>>, %arg21: memref<16xf32, #tpu.memory_space<vmem>>, %arg22: memref<16xf32, #tpu.memory_space<vmem>>, %arg23: memref<80xf32, #tpu.memory_space<vmem>>, %arg24: memref<16xf32, #tpu.memory_space<vmem>>, %arg25: memref<!tpu.dma_semaphore, #tpu.memory_space<semaphore_mem>>, %arg26: memref<!tpu.dma_semaphore, #tpu.memory_space<semaphore_mem>>, %arg27: memref<!tpu.dma_semaphore, #tpu.memory_space<semaphore_mem>>) attributes {dimension_semantics = [#tpu.dimension_semantics<core_parallel>, #tpu.dimension_semantics<subcore_parallel>], iteration_bounds = array<i64: 1, 16>, scalar_prefetch = 0 : i64, scratch_operands = 14 : i64, tpu.core_type = #tpu.core_type<sc_vector_subcore>, window_params = [{transform_indices = #map}, {transform_indices = #map}, {transform_indices = #map}, {transform_indices = #map}, {transform_indices = #map}, {transform_indices = #map}, {transform_indices = #map}, {transform_indices = #map}, {transform_indices = #map}, {transform_indices = #map}, {transform_indices = #map}, {transform_indices = #map}]} {
    %eq3A = arith.constant 0 : i32
    %eq3A_0 = arith.cmpi eq, %arg0, %eq3A : i32
    %eq3A_1 = arith.constant 0 : i32
    %eq3A_2 = arith.cmpi eq, %arg1, %eq3A_1 : i32
    %and3A = arith.andi %eq3A_0, %eq3A_2 : i1
    %convert_element_type3A = arith.extui %and3A : i1 to i32
    %cond3A = arith.constant 0 : i32
    %cond3A_3 = arith.cmpi ne, %convert_element_type3A, %cond3A : i32
    scf.if %cond3A_3 {
      %broadcast_in_dim3A = arith.constant 0.000000e+00 : f32
      %broadcast_in_dim3A_17 = vector.broadcast %broadcast_in_dim3A : f32 to vector<16xf32>
      %swap3A = arith.constant 64 : index
      %swap3A_18 = tpu.vector_load %arg23[%swap3A] {strides = array<i32>} : memref<80xf32, #tpu.memory_space<vmem>>, vector<16xf32>,
      tpu.vector_store %arg23[%swap3A], %broadcast_in_dim3A_17 {strides = array<i32>} : memref<80xf32, #tpu.memory_space<vmem>>, vector<16xf32>,
      %dma_start3A = arith.constant 0 : i32
      %dma_start3A_19 = tpu.memref_slice %arg23[%dma_start3A] : memref<80xf32, #tpu.memory_space<vmem>> -> memref<1xf32, #tpu.memory_space<vmem>>
      %dma_start3A_20 = arith.constant 0 : i32
      %dma_start3A_21 = tpu.memref_slice %arg23[%dma_start3A_20] : memref<80xf32, #tpu.memory_space<vmem>> -> memref<1xf32, #tpu.memory_space<vmem>>
      tpu.enqueue_dma source(%arg6 : memref<1xf32, #tpu.memory_space<hbm>>) target(%dma_start3A_21 : memref<1xf32, #tpu.memory_space<vmem>>) target_semaphore(%arg27 : memref<!tpu.dma_semaphore, #tpu.memory_space<semaphore_mem>>)
      %dma_start3A_22 = arith.constant 8 : i32
      %dma_start3A_23 = tpu.memref_slice %arg23[%dma_start3A_22] : memref<80xf32, #tpu.memory_space<vmem>> -> memref<2xf32, #tpu.memory_space<vmem>>
      %dma_start3A_24 = arith.constant 8 : i32
      %dma_start3A_25 = tpu.memref_slice %arg23[%dma_start3A_24] : memref<80xf32, #tpu.memory_space<vmem>> -> memref<2xf32, #tpu.memory_space<vmem>>
      tpu.enqueue_dma source(%arg8 : memref<2xf32, #tpu.memory_space<hbm>>) target(%dma_start3A_25 : memref<2xf32, #tpu.memory_space<vmem>>) target_semaphore(%arg27 : memref<!tpu.dma_semaphore, #tpu.memory_space<semaphore_mem>>)
      %dma_start3A_26 = arith.constant 16 : i32
      %dma_start3A_27 = tpu.memref_slice %arg23[%dma_start3A_26] : memref<80xf32, #tpu.memory_space<vmem>> -> memref<4xf32, #tpu.memory_space<vmem>>
      %dma_start3A_28 = arith.constant 16 : i32
      %dma_start3A_29 = tpu.memref_slice %arg23[%dma_start3A_28] : memref<80xf32, #tpu.memory_space<vmem>> -> memref<4xf32, #tpu.memory_space<vmem>>
      tpu.enqueue_dma source(%arg10 : memref<4xf32, #tpu.memory_space<hbm>>) target(%dma_start3A_29 : memref<4xf32, #tpu.memory_space<vmem>>) target_semaphore(%arg27 : memref<!tpu.dma_semaphore, #tpu.memory_space<semaphore_mem>>)
      %dma_start3A_30 = arith.constant 24 : i32
      %dma_start3A_31 = tpu.memref_slice %arg23[%dma_start3A_30] : memref<80xf32, #tpu.memory_space<vmem>> -> memref<1xf32, #tpu.memory_space<vmem>>
      %dma_start3A_32 = arith.constant 24 : i32
      %dma_start3A_33 = tpu.memref_slice %arg23[%dma_start3A_32] : memref<80xf32, #tpu.memory_space<vmem>> -> memref<1xf32, #tpu.memory_space<vmem>>
      tpu.enqueue_dma source(%arg7 : memref<1xf32, #tpu.memory_space<hbm>>) target(%dma_start3A_33 : memref<1xf32, #tpu.memory_space<vmem>>) target_semaphore(%arg27 : memref<!tpu.dma_semaphore, #tpu.memory_space<semaphore_mem>>)
      %dma_start3A_34 = arith.constant 32 : i32
      %dma_start3A_35 = tpu.memref_slice %arg23[%dma_start3A_34] : memref<80xf32, #tpu.memory_space<vmem>> -> memref<2xf32, #tpu.memory_space<vmem>>
      %dma_start3A_36 = arith.constant 32 : i32
      %dma_start3A_37 = tpu.memref_slice %arg23[%dma_start3A_36] : memref<80xf32, #tpu.memory_space<vmem>> -> memref<2xf32, #tpu.memory_space<vmem>>
      tpu.enqueue_dma source(%arg9 : memref<2xf32, #tpu.memory_space<hbm>>) target(%dma_start3A_37 : memref<2xf32, #tpu.memory_space<vmem>>) target_semaphore(%arg27 : memref<!tpu.dma_semaphore, #tpu.memory_space<semaphore_mem>>)
      %dma_start3A_38 = arith.constant 40 : i32
      %dma_start3A_39 = tpu.memref_slice %arg23[%dma_start3A_38] : memref<80xf32, #tpu.memory_space<vmem>> -> memref<4xf32, #tpu.memory_space<vmem>>
      %dma_start3A_40 = arith.constant 40 : i32
      %dma_start3A_41 = tpu.memref_slice %arg23[%dma_start3A_40] : memref<80xf32, #tpu.memory_space<vmem>> -> memref<4xf32, #tpu.memory_space<vmem>>
      tpu.enqueue_dma source(%arg11 : memref<4xf32, #tpu.memory_space<hbm>>) target(%dma_start3A_41 : memref<4xf32, #tpu.memory_space<vmem>>) target_semaphore(%arg27 : memref<!tpu.dma_semaphore, #tpu.memory_space<semaphore_mem>>)
      %dma_start3A_42 = arith.constant 48 : i32
      %dma_start3A_43 = tpu.memref_slice %arg23[%dma_start3A_42] : memref<80xf32, #tpu.memory_space<vmem>> -> memref<8xf32, #tpu.memory_space<vmem>>
      %dma_start3A_44 = arith.constant 48 : i32
      %dma_start3A_45 = tpu.memref_slice %arg23[%dma_start3A_44] : memref<80xf32, #tpu.memory_space<vmem>> -> memref<8xf32, #tpu.memory_space<vmem>>
      tpu.enqueue_dma source(%arg12 : memref<8xf32, #tpu.memory_space<hbm>>) target(%dma_start3A_45 : memref<8xf32, #tpu.memory_space<vmem>>) target_semaphore(%arg27 : memref<!tpu.dma_semaphore, #tpu.memory_space<semaphore_mem>>)
    } else {
    }
    %eq3A_4 = arith.constant 0 : i32
    %eq3A_5 = arith.cmpi eq, %arg0, %eq3A_4 : i32
    %convert_element_type3A_6 = arith.extui %eq3A_5 : i1 to i32
    %cond3A_7 = arith.constant 0 : i32
    %cond3A_8 = arith.cmpi ne, %convert_element_type3A_6, %cond3A_7 : i32
    scf.if %cond3A_8 {
      %mul3A = arith.constant 2 : i32
      %mul3A_17 = arith.muli %mul3A, %arg1 : i32
      %mul3A_18 = arith.constant 2 : i32
      %mul3A_19 = arith.muli %mul3A_18, %arg1 : i32
      %add3A = arith.constant 1 : i32
      %add3A_20 = arith.addi %mul3A_19, %add3A : i32
      %lt3A = arith.constant 31 : i32
      %lt3A_21 = arith.cmpi slt, %mul3A_17, %lt3A : i32
      %convert_element_type3A_22 = arith.extui %lt3A_21 : i1 to i32
      %cond3A_23 = arith.constant 0 : i32
      %cond3A_24 = arith.cmpi ne, %convert_element_type3A_22, %cond3A_23 : i32
      scf.if %cond3A_24 {
        %sub3A = arith.constant 9 : i32
        %sub3A_40 = arith.subi %mul3A_17, %sub3A : i32
        %max3A = arith.constant 0 : i32
        %max3A_41 = arith.maxsi %sub3A_40, %max3A : i32
        %jit3A = arith.constant 5 : i32
        %div3A = arith.divsi %max3A_41, %jit3A : i32
        %sign3A = arith.constant 0 : i32
        %sign3A_42 = arith.cmpi sgt, %max3A_41, %sign3A : i32
        %sign3A_43 = arith.extui %sign3A_42 : i1 to i32
        %sign3A_44 = arith.constant 0 : i32
        %sign3A_45 = arith.cmpi slt, %max3A_41, %sign3A_44 : i32
        %sign3A_46 = arith.extui %sign3A_45 : i1 to i32
        %sign3A_47 = arith.subi %sign3A_43, %sign3A_46 : i32
        %sign3A_48 = arith.constant 0 : i32
        %sign3A_49 = arith.cmpi sgt, %jit3A, %sign3A_48 : i32
        %sign3A_50 = arith.extui %sign3A_49 : i1 to i32
        %sign3A_51 = arith.constant 0 : i32
        %sign3A_52 = arith.cmpi slt, %jit3A, %sign3A_51 : i32
        %sign3A_53 = arith.extui %sign3A_52 : i1 to i32
        %sign3A_54 = arith.subi %sign3A_50, %sign3A_53 : i32
        %ne3A = arith.cmpi ne, %sign3A_47, %sign3A_54 : i32
        %rem3A = arith.remsi %max3A_41, %jit3A : i32
        %ne3A_55 = arith.constant 0 : i32
        %ne3A_56 = arith.cmpi ne, %rem3A, %ne3A_55 : i32
        %and3A_57 = arith.andi %ne3A, %ne3A_56 : i1
        %sub3A_58 = arith.constant 1 : i32
        %sub3A_59 = arith.subi %div3A, %sub3A_58 : i32
        %select_n3A = arith.select %and3A_57, %sub3A_59, %div3A : i32
        %mul3A_60 = arith.constant 5 : i32
        %mul3A_61 = arith.muli %select_n3A, %mul3A_60 : i32
        %sub3A_62 = arith.subi %max3A_41, %mul3A_61 : i32
        %sub3A_63 = arith.constant 19 : i32
        %sub3A_64 = arith.subi %mul3A_17, %sub3A_63 : i32
        %max3A_65 = arith.constant 0 : i32
        %max3A_66 = arith.maxsi %sub3A_64, %max3A_65 : i32
        %jit3A_67 = arith.constant 3 : i32
        %div3A_68 = arith.divsi %max3A_66, %jit3A_67 : i32
        %sign3A_69 = arith.constant 0 : i32
        %sign3A_70 = arith.cmpi sgt, %max3A_66, %sign3A_69 : i32
        %sign3A_71 = arith.extui %sign3A_70 : i1 to i32
        %sign3A_72 = arith.constant 0 : i32
        %sign3A_73 = arith.cmpi slt, %max3A_66, %sign3A_72 : i32
        %sign3A_74 = arith.extui %sign3A_73 : i1 to i32
        %sign3A_75 = arith.subi %sign3A_71, %sign3A_74 : i32
        %sign3A_76 = arith.constant 0 : i32
        %sign3A_77 = arith.cmpi sgt, %jit3A_67, %sign3A_76 : i32
        %sign3A_78 = arith.extui %sign3A_77 : i1 to i32
        %sign3A_79 = arith.constant 0 : i32
        %sign3A_80 = arith.cmpi slt, %jit3A_67, %sign3A_79 : i32
        %sign3A_81 = arith.extui %sign3A_80 : i1 to i32
        %sign3A_82 = arith.subi %sign3A_78, %sign3A_81 : i32
        %ne3A_83 = arith.cmpi ne, %sign3A_75, %sign3A_82 : i32
        %rem3A_84 = arith.remsi %max3A_66, %jit3A_67 : i32
        %ne3A_85 = arith.constant 0 : i32
        %ne3A_86 = arith.cmpi ne, %rem3A_84, %ne3A_85 : i32
        %and3A_87 = arith.andi %ne3A_83, %ne3A_86 : i1
        %sub3A_88 = arith.constant 1 : i32
        %sub3A_89 = arith.subi %div3A_68, %sub3A_88 : i32
        %select_n3A_90 = arith.select %and3A_87, %sub3A_89, %div3A_68 : i32
        %mul3A_91 = arith.constant 3 : i32
        %mul3A_92 = arith.muli %select_n3A_90, %mul3A_91 : i32
        %sub3A_93 = arith.subi %max3A_66, %mul3A_92 : i32
        %lt3A_94 = arith.constant 9 : i32
        %lt3A_95 = arith.cmpi slt, %mul3A_17, %lt3A_94 : i32
        %lt3A_96 = arith.constant 19 : i32
        %lt3A_97 = arith.cmpi slt, %mul3A_17, %lt3A_96 : i32
        %eq3A_98 = arith.constant 0 : i32
        %eq3A_99 = arith.cmpi eq, %sub3A_62, %eq3A_98 : i32
        %eq3A_100 = arith.constant 0 : i32
        %eq3A_101 = arith.cmpi eq, %select_n3A, %eq3A_100 : i32
        %add3A_102 = arith.constant 4 : i32
        %add3A_103 = arith.addi %sub3A_62, %add3A_102 : i32
        %select_n3A_104 = arith.select %eq3A_101, %sub3A_62, %add3A_103 : i32
        %jit3A_105 = arith.constant 0 : i32
        %select_n3A_106 = arith.select %eq3A_99, %jit3A_105, %select_n3A_104 : i32
        %eq3A_107 = arith.constant 0 : i32
        %eq3A_108 = arith.cmpi eq, %sub3A_93, %eq3A_107 : i32
        %mul3A_109 = arith.constant 2 : i32
        %mul3A_110 = arith.muli %mul3A_109, %select_n3A_90 : i32
        %add3A_111 = arith.addi %mul3A_110, %sub3A_93 : i32
        %jit3A_112 = arith.constant 0 : i32
        %select_n3A_113 = arith.select %eq3A_108, %jit3A_112, %add3A_111 : i32
        %select_n3A_114 = arith.select %lt3A_97, %select_n3A_106, %select_n3A_113 : i32
        %select_n3A_115 = arith.select %lt3A_95, %mul3A_17, %select_n3A_114 : i32
        %mul3A_116 = arith.constant 2048 : i32
        %mul3A_117 = arith.muli %select_n3A_115, %mul3A_116 : i32
        %dma_start3A = tpu.memref_slice %arg2[%mul3A_117] : memref<18432xf32, #tpu.memory_space<hbm>> -> memref<2048xf32, #tpu.memory_space<hbm>>
        %dma_start3A_118 = tpu.memref_slice %arg2[%mul3A_117] : memref<18432xf32, #tpu.memory_space<hbm>> -> memref<2048xf32, #tpu.memory_space<hbm>>
        tpu.enqueue_dma source(%dma_start3A_118 : memref<2048xf32, #tpu.memory_space<hbm>>) target(%arg14 : memref<2048xf32, #tpu.memory_space<vmem>>) target_semaphore(%arg25 : memref<!tpu.dma_semaphore, #tpu.memory_space<semaphore_mem>>)
        %lt3A_119 = arith.constant 9 : i32
        %lt3A_120 = arith.cmpi slt, %mul3A_17, %lt3A_119 : i32
        %convert_element_type3A_121 = arith.extui %lt3A_120 : i1 to i32
        %cond3A_122 = arith.constant 0 : i32
        %cond3A_123 = arith.cmpi ne, %convert_element_type3A_121, %cond3A_122 : i32
        scf.if %cond3A_123 {
          %mul3A_136 = arith.constant 2048 : i32
          %mul3A_137 = arith.muli %mul3A_17, %mul3A_136 : i32
          %dma_start3A_138 = tpu.memref_slice %arg3[%mul3A_137] : memref<18432xf32, #tpu.memory_space<hbm>> -> memref<2048xf32, #tpu.memory_space<hbm>>
          %dma_start3A_139 = tpu.memref_slice %arg3[%mul3A_137] : memref<18432xf32, #tpu.memory_space<hbm>> -> memref<2048xf32, #tpu.memory_space<hbm>>
          tpu.enqueue_dma source(%dma_start3A_139 : memref<2048xf32, #tpu.memory_space<hbm>>) target(%arg16 : memref<2048xf32, #tpu.memory_space<vmem>>) target_semaphore(%arg25 : memref<!tpu.dma_semaphore, #tpu.memory_space<semaphore_mem>>)
        } else {
        }
        %ge3A = arith.constant 9 : i32
        %ge3A_124 = arith.cmpi sge, %mul3A_17, %ge3A : i32
        %lt3A_125 = arith.constant 19 : i32
        %lt3A_126 = arith.cmpi slt, %mul3A_17, %lt3A_125 : i32
        %and3A_127 = arith.andi %ge3A_124, %lt3A_126 : i1
        %convert_element_type3A_128 = arith.extui %and3A_127 : i1 to i32
        %cond3A_129 = arith.constant 0 : i32
        %cond3A_130 = arith.cmpi ne, %convert_element_type3A_128, %cond3A_129 : i32
        scf.if %cond3A_130 {
          %mul3A_136 = arith.constant 10240 : i32
          %mul3A_137 = arith.muli %select_n3A, %mul3A_136 : i32
          %mul3A_138 = arith.constant 2048 : i32
          %mul3A_139 = arith.muli %sub3A_62, %mul3A_138 : i32
          %add3A_140 = arith.addi %mul3A_137, %mul3A_139 : i32
          %dma_start3A_141 = tpu.memref_slice %arg4[%add3A_140] : memref<20480xf32, #tpu.memory_space<hbm>> -> memref<2048xf32, #tpu.memory_space<hbm>>
          %dma_start3A_142 = tpu.memref_slice %arg4[%add3A_140] : memref<20480xf32, #tpu.memory_space<hbm>> -> memref<2048xf32, #tpu.memory_space<hbm>>
          tpu.enqueue_dma source(%dma_start3A_142 : memref<2048xf32, #tpu.memory_space<hbm>>) target(%arg16 : memref<2048xf32, #tpu.memory_space<vmem>>) target_semaphore(%arg25 : memref<!tpu.dma_semaphore, #tpu.memory_space<semaphore_mem>>)
        } else {
        }
        %ge3A_131 = arith.constant 19 : i32
        %ge3A_132 = arith.cmpi sge, %mul3A_17, %ge3A_131 : i32
        %convert_element_type3A_133 = arith.extui %ge3A_132 : i1 to i32
        %cond3A_134 = arith.constant 0 : i32
        %cond3A_135 = arith.cmpi ne, %convert_element_type3A_133, %cond3A_134 : i32
        scf.if %cond3A_135 {
          %mul3A_136 = arith.constant 6144 : i32
          %mul3A_137 = arith.muli %select_n3A_90, %mul3A_136 : i32
          %mul3A_138 = arith.constant 2048 : i32
          %mul3A_139 = arith.muli %sub3A_93, %mul3A_138 : i32
          %add3A_140 = arith.addi %mul3A_137, %mul3A_139 : i32
          %dma_start3A_141 = tpu.memref_slice %arg5[%add3A_140] : memref<24576xf32, #tpu.memory_space<hbm>> -> memref<2048xf32, #tpu.memory_space<hbm>>
          %dma_start3A_142 = tpu.memref_slice %arg5[%add3A_140] : memref<24576xf32, #tpu.memory_space<hbm>> -> memref<2048xf32, #tpu.memory_space<hbm>>
          tpu.enqueue_dma source(%dma_start3A_142 : memref<2048xf32, #tpu.memory_space<hbm>>) target(%arg16 : memref<2048xf32, #tpu.memory_space<vmem>>) target_semaphore(%arg25 : memref<!tpu.dma_semaphore, #tpu.memory_space<semaphore_mem>>)
        } else {
        }
      } else {
      }
      %lt3A_25 = arith.constant 31 : i32
      %lt3A_26 = arith.cmpi slt, %add3A_20, %lt3A_25 : i32
      %convert_element_type3A_27 = arith.extui %lt3A_26 : i1 to i32
      %cond3A_28 = arith.constant 0 : i32
      %cond3A_29 = arith.cmpi ne, %convert_element_type3A_27, %cond3A_28 : i32
      scf.if %cond3A_29 {
        %sub3A = arith.constant 9 : i32
        %sub3A_40 = arith.subi %add3A_20, %sub3A : i32
        %max3A = arith.constant 0 : i32
        %max3A_41 = arith.maxsi %sub3A_40, %max3A : i32
        %jit3A = arith.constant 5 : i32
        %div3A = arith.divsi %max3A_41, %jit3A : i32
        %sign3A = arith.constant 0 : i32
        %sign3A_42 = arith.cmpi sgt, %max3A_41, %sign3A : i32
        %sign3A_43 = arith.extui %sign3A_42 : i1 to i32
        %sign3A_44 = arith.constant 0 : i32
        %sign3A_45 = arith.cmpi slt, %max3A_41, %sign3A_44 : i32
        %sign3A_46 = arith.extui %sign3A_45 : i1 to i32
        %sign3A_47 = arith.subi %sign3A_43, %sign3A_46 : i32
        %sign3A_48 = arith.constant 0 : i32
        %sign3A_49 = arith.cmpi sgt, %jit3A, %sign3A_48 : i32
        %sign3A_50 = arith.extui %sign3A_49 : i1 to i32
        %sign3A_51 = arith.constant 0 : i32
        %sign3A_52 = arith.cmpi slt, %jit3A, %sign3A_51 : i32
        %sign3A_53 = arith.extui %sign3A_52 : i1 to i32
        %sign3A_54 = arith.subi %sign3A_50, %sign3A_53 : i32
        %ne3A = arith.cmpi ne, %sign3A_47, %sign3A_54 : i32
        %rem3A = arith.remsi %max3A_41, %jit3A : i32
        %ne3A_55 = arith.constant 0 : i32
        %ne3A_56 = arith.cmpi ne, %rem3A, %ne3A_55 : i32
        %and3A_57 = arith.andi %ne3A, %ne3A_56 : i1
        %sub3A_58 = arith.constant 1 : i32
        %sub3A_59 = arith.subi %div3A, %sub3A_58 : i32
        %select_n3A = arith.select %and3A_57, %sub3A_59, %div3A : i32
        %mul3A_60 = arith.constant 5 : i32
        %mul3A_61 = arith.muli %select_n3A, %mul3A_60 : i32
        %sub3A_62 = arith.subi %max3A_41, %mul3A_61 : i32
        %sub3A_63 = arith.constant 19 : i32
        %sub3A_64 = arith.subi %add3A_20, %sub3A_63 : i32
        %max3A_65 = arith.constant 0 : i32
        %max3A_66 = arith.maxsi %sub3A_64, %max3A_65 : i32
        %jit3A_67 = arith.constant 3 : i32
        %div3A_68 = arith.divsi %max3A_66, %jit3A_67 : i32
        %sign3A_69 = arith.constant 0 : i32
        %sign3A_70 = arith.cmpi sgt, %max3A_66, %sign3A_69 : i32
        %sign3A_71 = arith.extui %sign3A_70 : i1 to i32
        %sign3A_72 = arith.constant 0 : i32
        %sign3A_73 = arith.cmpi slt, %max3A_66, %sign3A_72 : i32
        %sign3A_74 = arith.extui %sign3A_73 : i1 to i32
        %sign3A_75 = arith.subi %sign3A_71, %sign3A_74 : i32
        %sign3A_76 = arith.constant 0 : i32
        %sign3A_77 = arith.cmpi sgt, %jit3A_67, %sign3A_76 : i32
        %sign3A_78 = arith.extui %sign3A_77 : i1 to i32
        %sign3A_79 = arith.constant 0 : i32
        %sign3A_80 = arith.cmpi slt, %jit3A_67, %sign3A_79 : i32
        %sign3A_81 = arith.extui %sign3A_80 : i1 to i32
        %sign3A_82 = arith.subi %sign3A_78, %sign3A_81 : i32
        %ne3A_83 = arith.cmpi ne, %sign3A_75, %sign3A_82 : i32
        %rem3A_84 = arith.remsi %max3A_66, %jit3A_67 : i32
        %ne3A_85 = arith.constant 0 : i32
        %ne3A_86 = arith.cmpi ne, %rem3A_84, %ne3A_85 : i32
        %and3A_87 = arith.andi %ne3A_83, %ne3A_86 : i1
        %sub3A_88 = arith.constant 1 : i32
        %sub3A_89 = arith.subi %div3A_68, %sub3A_88 : i32
        %select_n3A_90 = arith.select %and3A_87, %sub3A_89, %div3A_68 : i32
        %mul3A_91 = arith.constant 3 : i32
        %mul3A_92 = arith.muli %select_n3A_90, %mul3A_91 : i32
        %sub3A_93 = arith.subi %max3A_66, %mul3A_92 : i32
        %lt3A_94 = arith.constant 9 : i32
        %lt3A_95 = arith.cmpi slt, %add3A_20, %lt3A_94 : i32
        %lt3A_96 = arith.constant 19 : i32
        %lt3A_97 = arith.cmpi slt, %add3A_20, %lt3A_96 : i32
        %eq3A_98 = arith.constant 0 : i32
        %eq3A_99 = arith.cmpi eq, %sub3A_62, %eq3A_98 : i32
        %eq3A_100 = arith.constant 0 : i32
        %eq3A_101 = arith.cmpi eq, %select_n3A, %eq3A_100 : i32
        %add3A_102 = arith.constant 4 : i32
        %add3A_103 = arith.addi %sub3A_62, %add3A_102 : i32
        %select_n3A_104 = arith.select %eq3A_101, %sub3A_62, %add3A_103 : i32
        %jit3A_105 = arith.constant 0 : i32
        %select_n3A_106 = arith.select %eq3A_99, %jit3A_105, %select_n3A_104 : i32
        %eq3A_107 = arith.constant 0 : i32
        %eq3A_108 = arith.cmpi eq, %sub3A_93, %eq3A_107 : i32
        %mul3A_109 = arith.constant 2 : i32
        %mul3A_110 = arith.muli %mul3A_109, %select_n3A_90 : i32
        %add3A_111 = arith.addi %mul3A_110, %sub3A_93 : i32
        %jit3A_112 = arith.constant 0 : i32
        %select_n3A_113 = arith.select %eq3A_108, %jit3A_112, %add3A_111 : i32
        %select_n3A_114 = arith.select %lt3A_97, %select_n3A_106, %select_n3A_113 : i32
        %select_n3A_115 = arith.select %lt3A_95, %add3A_20, %select_n3A_114 : i32
        %mul3A_116 = arith.constant 2048 : i32
        %mul3A_117 = arith.muli %select_n3A_115, %mul3A_116 : i32
        %dma_start3A = tpu.memref_slice %arg2[%mul3A_117] : memref<18432xf32, #tpu.memory_space<hbm>> -> memref<2048xf32, #tpu.memory_space<hbm>>
        %dma_start3A_118 = tpu.memref_slice %arg2[%mul3A_117] : memref<18432xf32, #tpu.memory_space<hbm>> -> memref<2048xf32, #tpu.memory_space<hbm>>
        tpu.enqueue_dma source(%dma_start3A_118 : memref<2048xf32, #tpu.memory_space<hbm>>) target(%arg15 : memref<2048xf32, #tpu.memory_space<vmem>>) target_semaphore(%arg26 : memref<!tpu.dma_semaphore, #tpu.memory_space<semaphore_mem>>)
        %lt3A_119 = arith.constant 9 : i32
        %lt3A_120 = arith.cmpi slt, %add3A_20, %lt3A_119 : i32
        %convert_element_type3A_121 = arith.extui %lt3A_120 : i1 to i32
        %cond3A_122 = arith.constant 0 : i32
        %cond3A_123 = arith.cmpi ne, %convert_element_type3A_121, %cond3A_122 : i32
        scf.if %cond3A_123 {
          %mul3A_136 = arith.constant 2048 : i32
          %mul3A_137 = arith.muli %add3A_20, %mul3A_136 : i32
          %dma_start3A_138 = tpu.memref_slice %arg3[%mul3A_137] : memref<18432xf32, #tpu.memory_space<hbm>> -> memref<2048xf32, #tpu.memory_space<hbm>>
          %dma_start3A_139 = tpu.memref_slice %arg3[%mul3A_137] : memref<18432xf32, #tpu.memory_space<hbm>> -> memref<2048xf32, #tpu.memory_space<hbm>>
          tpu.enqueue_dma source(%dma_start3A_139 : memref<2048xf32, #tpu.memory_space<hbm>>) target(%arg17 : memref<2048xf32, #tpu.memory_space<vmem>>) target_semaphore(%arg26 : memref<!tpu.dma_semaphore, #tpu.memory_space<semaphore_mem>>)
        } else {
        }
        %ge3A = arith.constant 9 : i32
        %ge3A_124 = arith.cmpi sge, %add3A_20, %ge3A : i32
        %lt3A_125 = arith.constant 19 : i32
        %lt3A_126 = arith.cmpi slt, %add3A_20, %lt3A_125 : i32
        %and3A_127 = arith.andi %ge3A_124, %lt3A_126 : i1
        %convert_element_type3A_128 = arith.extui %and3A_127 : i1 to i32
        %cond3A_129 = arith.constant 0 : i32
        %cond3A_130 = arith.cmpi ne, %convert_element_type3A_128, %cond3A_129 : i32
        scf.if %cond3A_130 {
          %mul3A_136 = arith.constant 10240 : i32
          %mul3A_137 = arith.muli %select_n3A, %mul3A_136 : i32
          %mul3A_138 = arith.constant 2048 : i32
          %mul3A_139 = arith.muli %sub3A_62, %mul3A_138 : i32
          %add3A_140 = arith.addi %mul3A_137, %mul3A_139 : i32
          %dma_start3A_141 = tpu.memref_slice %arg4[%add3A_140] : memref<20480xf32, #tpu.memory_space<hbm>> -> memref<2048xf32, #tpu.memory_space<hbm>>
          %dma_start3A_142 = tpu.memref_slice %arg4[%add3A_140] : memref<20480xf32, #tpu.memory_space<hbm>> -> memref<2048xf32, #tpu.memory_space<hbm>>
          tpu.enqueue_dma source(%dma_start3A_142 : memref<2048xf32, #tpu.memory_space<hbm>>) target(%arg17 : memref<2048xf32, #tpu.memory_space<vmem>>) target_semaphore(%arg26 : memref<!tpu.dma_semaphore, #tpu.memory_space<semaphore_mem>>)
        } else {
        }
        %ge3A_131 = arith.constant 19 : i32
        %ge3A_132 = arith.cmpi sge, %add3A_20, %ge3A_131 : i32
        %convert_element_type3A_133 = arith.extui %ge3A_132 : i1 to i32
        %cond3A_134 = arith.constant 0 : i32
        %cond3A_135 = arith.cmpi ne, %convert_element_type3A_133, %cond3A_134 : i32
        scf.if %cond3A_135 {
          %mul3A_136 = arith.constant 6144 : i32
          %mul3A_137 = arith.muli %select_n3A_90, %mul3A_136 : i32
          %mul3A_138 = arith.constant 2048 : i32
          %mul3A_139 = arith.muli %sub3A_93, %mul3A_138 : i32
          %add3A_140 = arith.addi %mul3A_137, %mul3A_139 : i32
          %dma_start3A_141 = tpu.memref_slice %arg5[%add3A_140] : memref<24576xf32, #tpu.memory_space<hbm>> -> memref<2048xf32, #tpu.memory_space<hbm>>
          %dma_start3A_142 = tpu.memref_slice %arg5[%add3A_140] : memref<24576xf32, #tpu.memory_space<hbm>> -> memref<2048xf32, #tpu.memory_space<hbm>>
          tpu.enqueue_dma source(%dma_start3A_142 : memref<2048xf32, #tpu.memory_space<hbm>>) target(%arg17 : memref<2048xf32, #tpu.memory_space<vmem>>) target_semaphore(%arg26 : memref<!tpu.dma_semaphore, #tpu.memory_space<semaphore_mem>>)
        } else {
        }
      } else {
      }
      %lt3A_30 = arith.constant 31 : i32
      %lt3A_31 = arith.cmpi slt, %mul3A_17, %lt3A_30 : i32
      %convert_element_type3A_32 = arith.extui %lt3A_31 : i1 to i32
      %cond3A_33 = arith.constant 0 : i32
      %cond3A_34 = arith.cmpi ne, %convert_element_type3A_32, %cond3A_33 : i32
      scf.if %cond3A_34 {
        %dma_wait3A = arith.constant 0 : i32
        %dma_wait3A_40 = tpu.memref_slice %arg2[%dma_wait3A] : memref<18432xf32, #tpu.memory_space<hbm>> -> memref<2048xf32, #tpu.memory_space<hbm>>
        %dma_wait3A_41 = arith.constant 0 : i32
        %dma_wait3A_42 = tpu.memref_slice %arg2[%dma_wait3A_41] : memref<18432xf32, #tpu.memory_space<hbm>> -> memref<2048xf32, #tpu.memory_space<hbm>>
        tpu.wait_dma2 semaphore(%arg25 : memref<!tpu.dma_semaphore, #tpu.memory_space<semaphore_mem>>) src(%dma_wait3A_42 : memref<2048xf32, #tpu.memory_space<hbm>>) dst(%arg14 : memref<2048xf32, #tpu.memory_space<vmem>>)
        %dma_wait3A_43 = arith.constant 0 : i32
        %dma_wait3A_44 = tpu.memref_slice %arg2[%dma_wait3A_43] : memref<18432xf32, #tpu.memory_space<hbm>> -> memref<2048xf32, #tpu.memory_space<hbm>>
        %dma_wait3A_45 = arith.constant 0 : i32
        %dma_wait3A_46 = tpu.memref_slice %arg2[%dma_wait3A_45] : memref<18432xf32, #tpu.memory_space<hbm>> -> memref<2048xf32, #tpu.memory_space<hbm>>
        tpu.wait_dma2 semaphore(%arg25 : memref<!tpu.dma_semaphore, #tpu.memory_space<semaphore_mem>>) src(%dma_wait3A_46 : memref<2048xf32, #tpu.memory_space<hbm>>) dst(%arg16 : memref<2048xf32, #tpu.memory_space<vmem>>)
        %broadcast_in_dim3A = arith.constant 0.000000e+00 : f32
        %broadcast_in_dim3A_47 = vector.broadcast %broadcast_in_dim3A : f32 to vector<16xf32>
        %scan3A = arith.constant 0 : i32
        %scan3A_48 = arith.constant 8 : i32
        %scan3A_49 = arith.addi %scan3A, %scan3A_48 : i32
        %scan3A_50 = arith.constant 1 : i32
        %scan3A_51:4 = scf.for %scan3A_85 = %scan3A to %scan3A_49 step %scan3A_50 iter_args(%scan3A_86 = %broadcast_in_dim3A_47, %scan3A_87 = %broadcast_in_dim3A_47, %scan3A_88 = %broadcast_in_dim3A_47, %scan3A_89 = %broadcast_in_dim3A_47) -> (vector<16xf32>, vector<16xf32>, vector<16xf32>, vector<16xf32>)  : i32 {
          %mul3A_90 = arith.constant 256 : i32
          %mul3A_91 = arith.muli %scan3A_85, %mul3A_90 : i32
          %add3A_92 = arith.constant 0 : i32
          %add3A_93 = arith.addi %mul3A_91, %add3A_92 : i32
          %get3A = arith.index_cast %add3A_93 : i32 to index
          %get3A_94 = tpu.vector_load %arg16[%get3A] {strides = array<i32>} : memref<2048xf32, #tpu.memory_space<vmem>>, vector<16xf32>,
          %add3A_95 = arith.constant 0 : i32
          %add3A_96 = arith.addi %mul3A_91, %add3A_95 : i32
          %get3A_97 = arith.index_cast %add3A_96 : i32 to index
          %get3A_98 = tpu.vector_load %arg14[%get3A_97] {strides = array<i32>} : memref<2048xf32, #tpu.memory_space<vmem>>, vector<16xf32>,
          %mul3A_99 = arith.mulf %get3A_94, %get3A_98 : vector<16xf32>
          %add3A_100 = arith.addf %scan3A_86, %mul3A_99 : vector<16xf32>
          %add3A_101 = arith.constant 16 : i32
          %add3A_102 = arith.addi %mul3A_91, %add3A_101 : i32
          %get3A_103 = arith.index_cast %add3A_102 : i32 to index
          %get3A_104 = tpu.vector_load %arg16[%get3A_103] {strides = array<i32>} : memref<2048xf32, #tpu.memory_space<vmem>>, vector<16xf32>,
          %add3A_105 = arith.constant 16 : i32
          %add3A_106 = arith.addi %mul3A_91, %add3A_105 : i32
          %get3A_107 = arith.index_cast %add3A_106 : i32 to index
          %get3A_108 = tpu.vector_load %arg14[%get3A_107] {strides = array<i32>} : memref<2048xf32, #tpu.memory_space<vmem>>, vector<16xf32>,
          %mul3A_109 = arith.mulf %get3A_104, %get3A_108 : vector<16xf32>
          %add3A_110 = arith.addf %scan3A_87, %mul3A_109 : vector<16xf32>
          %add3A_111 = arith.constant 32 : i32
          %add3A_112 = arith.addi %mul3A_91, %add3A_111 : i32
          %get3A_113 = arith.index_cast %add3A_112 : i32 to index
          %get3A_114 = tpu.vector_load %arg16[%get3A_113] {strides = array<i32>} : memref<2048xf32, #tpu.memory_space<vmem>>, vector<16xf32>,
          %add3A_115 = arith.constant 32 : i32
          %add3A_116 = arith.addi %mul3A_91, %add3A_115 : i32
          %get3A_117 = arith.index_cast %add3A_116 : i32 to index
          %get3A_118 = tpu.vector_load %arg14[%get3A_117] {strides = array<i32>} : memref<2048xf32, #tpu.memory_space<vmem>>, vector<16xf32>,
          %mul3A_119 = arith.mulf %get3A_114, %get3A_118 : vector<16xf32>
          %add3A_120 = arith.addf %scan3A_88, %mul3A_119 : vector<16xf32>
          %add3A_121 = arith.constant 48 : i32
          %add3A_122 = arith.addi %mul3A_91, %add3A_121 : i32
          %get3A_123 = arith.index_cast %add3A_122 : i32 to index
          %get3A_124 = tpu.vector_load %arg16[%get3A_123] {strides = array<i32>} : memref<2048xf32, #tpu.memory_space<vmem>>, vector<16xf32>,
          %add3A_125 = arith.constant 48 : i32
          %add3A_126 = arith.addi %mul3A_91, %add3A_125 : i32
          %get3A_127 = arith.index_cast %add3A_126 : i32 to index
          %get3A_128 = tpu.vector_load %arg14[%get3A_127] {strides = array<i32>} : memref<2048xf32, #tpu.memory_space<vmem>>, vector<16xf32>,
          %mul3A_129 = arith.mulf %get3A_124, %get3A_128 : vector<16xf32>
          %add3A_130 = arith.addf %scan3A_89, %mul3A_129 : vector<16xf32>
          %add3A_131 = arith.constant 64 : i32
          %add3A_132 = arith.addi %mul3A_91, %add3A_131 : i32
          %get3A_133 = arith.index_cast %add3A_132 : i32 to index
          %get3A_134 = tpu.vector_load %arg16[%get3A_133] {strides = array<i32>} : memref<2048xf32, #tpu.memory_space<vmem>>, vector<16xf32>,
          %add3A_135 = arith.constant 64 : i32
          %add3A_136 = arith.addi %mul3A_91, %add3A_135 : i32
          %get3A_137 = arith.index_cast %add3A_136 : i32 to index
          %get3A_138 = tpu.vector_load %arg14[%get3A_137] {strides = array<i32>} : memref<2048xf32, #tpu.memory_space<vmem>>, vector<16xf32>,
          %mul3A_139 = arith.mulf %get3A_134, %get3A_138 : vector<16xf32>
          %add3A_140 = arith.addf %add3A_100, %mul3A_139 : vector<16xf32>
          %add3A_141 = arith.constant 80 : i32
          %add3A_142 = arith.addi %mul3A_91, %add3A_141 : i32
          %get3A_143 = arith.index_cast %add3A_142 : i32 to index
          %get3A_144 = tpu.vector_load %arg16[%get3A_143] {strides = array<i32>} : memref<2048xf32, #tpu.memory_space<vmem>>, vector<16xf32>,
          %add3A_145 = arith.constant 80 : i32
          %add3A_146 = arith.addi %mul3A_91, %add3A_145 : i32
          %get3A_147 = arith.index_cast %add3A_146 : i32 to index
          %get3A_148 = tpu.vector_load %arg14[%get3A_147] {strides = array<i32>} : memref<2048xf32, #tpu.memory_space<vmem>>, vector<16xf32>,
          %mul3A_149 = arith.mulf %get3A_144, %get3A_148 : vector<16xf32>
          %add3A_150 = arith.addf %add3A_110, %mul3A_149 : vector<16xf32>
          %add3A_151 = arith.constant 96 : i32
          %add3A_152 = arith.addi %mul3A_91, %add3A_151 : i32
          %get3A_153 = arith.index_cast %add3A_152 : i32 to index
          %get3A_154 = tpu.vector_load %arg16[%get3A_153] {strides = array<i32>} : memref<2048xf32, #tpu.memory_space<vmem>>, vector<16xf32>,
          %add3A_155 = arith.constant 96 : i32
          %add3A_156 = arith.addi %mul3A_91, %add3A_155 : i32
          %get3A_157 = arith.index_cast %add3A_156 : i32 to index
          %get3A_158 = tpu.vector_load %arg14[%get3A_157] {strides = array<i32>} : memref<2048xf32, #tpu.memory_space<vmem>>, vector<16xf32>,
          %mul3A_159 = arith.mulf %get3A_154, %get3A_158 : vector<16xf32>
          %add3A_160 = arith.addf %add3A_120, %mul3A_159 : vector<16xf32>
          %add3A_161 = arith.constant 112 : i32
          %add3A_162 = arith.addi %mul3A_91, %add3A_161 : i32
          %get3A_163 = arith.index_cast %add3A_162 : i32 to index
          %get3A_164 = tpu.vector_load %arg16[%get3A_163] {strides = array<i32>} : memref<2048xf32, #tpu.memory_space<vmem>>, vector<16xf32>,
          %add3A_165 = arith.constant 112 : i32
          %add3A_166 = arith.addi %mul3A_91, %add3A_165 : i32
          %get3A_167 = arith.index_cast %add3A_166 : i32 to index
          %get3A_168 = tpu.vector_load %arg14[%get3A_167] {strides = array<i32>} : memref<2048xf32, #tpu.memory_space<vmem>>, vector<16xf32>,
          %mul3A_169 = arith.mulf %get3A_164, %get3A_168 : vector<16xf32>
          %add3A_170 = arith.addf %add3A_130, %mul3A_169 : vector<16xf32>
          %add3A_171 = arith.constant 128 : i32
          %add3A_172 = arith.addi %mul3A_91, %add3A_171 : i32
          %get3A_173 = arith.index_cast %add3A_172 : i32 to index
          %get3A_174 = tpu.vector_load %arg16[%get3A_173] {strides = array<i32>} : memref<2048xf32, #tpu.memory_space<vmem>>, vector<16xf32>,
          %add3A_175 = arith.constant 128 : i32
          %add3A_176 = arith.addi %mul3A_91, %add3A_175 : i32
          %get3A_177 = arith.index_cast %add3A_176 : i32 to index
          %get3A_178 = tpu.vector_load %arg14[%get3A_177] {strides = array<i32>} : memref<2048xf32, #tpu.memory_space<vmem>>, vector<16xf32>,
          %mul3A_179 = arith.mulf %get3A_174, %get3A_178 : vector<16xf32>
          %add3A_180 = arith.addf %add3A_140, %mul3A_179 : vector<16xf32>
          %add3A_181 = arith.constant 144 : i32
          %add3A_182 = arith.addi %mul3A_91, %add3A_181 : i32
          %get3A_183 = arith.index_cast %add3A_182 : i32 to index
          %get3A_184 = tpu.vector_load %arg16[%get3A_183] {strides = array<i32>} : memref<2048xf32, #tpu.memory_space<vmem>>, vector<16xf32>,
          %add3A_185 = arith.constant 144 : i32
          %add3A_186 = arith.addi %mul3A_91, %add3A_185 : i32
          %get3A_187 = arith.index_cast %add3A_186 : i32 to index
          %get3A_188 = tpu.vector_load %arg14[%get3A_187] {strides = array<i32>} : memref<2048xf32, #tpu.memory_space<vmem>>, vector<16xf32>,
          %mul3A_189 = arith.mulf %get3A_184, %get3A_188 : vector<16xf32>
          %add3A_190 = arith.addf %add3A_150, %mul3A_189 : vector<16xf32>
          %add3A_191 = arith.constant 160 : i32
          %add3A_192 = arith.addi %mul3A_91, %add3A_191 : i32
          %get3A_193 = arith.index_cast %add3A_192 : i32 to index
          %get3A_194 = tpu.vector_load %arg16[%get3A_193] {strides = array<i32>} : memref<2048xf32, #tpu.memory_space<vmem>>, vector<16xf32>,
          %add3A_195 = arith.constant 160 : i32
          %add3A_196 = arith.addi %mul3A_91, %add3A_195 : i32
          %get3A_197 = arith.index_cast %add3A_196 : i32 to index
          %get3A_198 = tpu.vector_load %arg14[%get3A_197] {strides = array<i32>} : memref<2048xf32, #tpu.memory_space<vmem>>, vector<16xf32>,
          %mul3A_199 = arith.mulf %get3A_194, %get3A_198 : vector<16xf32>
          %add3A_200 = arith.addf %add3A_160, %mul3A_199 : vector<16xf32>
          %add3A_201 = arith.constant 176 : i32
          %add3A_202 = arith.addi %mul3A_91, %add3A_201 : i32
          %get3A_203 = arith.index_cast %add3A_202 : i32 to index
          %get3A_204 = tpu.vector_load %arg16[%get3A_203] {strides = array<i32>} : memref<2048xf32, #tpu.memory_space<vmem>>, vector<16xf32>,
          %add3A_205 = arith.constant 176 : i32
          %add3A_206 = arith.addi %mul3A_91, %add3A_205 : i32
          %get3A_207 = arith.index_cast %add3A_206 : i32 to index
          %get3A_208 = tpu.vector_load %arg14[%get3A_207] {strides = array<i32>} : memref<2048xf32, #tpu.memory_space<vmem>>, vector<16xf32>,
          %mul3A_209 = arith.mulf %get3A_204, %get3A_208 : vector<16xf32>
          %add3A_210 = arith.addf %add3A_170, %mul3A_209 : vector<16xf32>
          %add3A_211 = arith.constant 192 : i32
          %add3A_212 = arith.addi %mul3A_91, %add3A_211 : i32
          %get3A_213 = arith.index_cast %add3A_212 : i32 to index
          %get3A_214 = tpu.vector_load %arg16[%get3A_213] {strides = array<i32>} : memref<2048xf32, #tpu.memory_space<vmem>>, vector<16xf32>,
          %add3A_215 = arith.constant 192 : i32
          %add3A_216 = arith.addi %mul3A_91, %add3A_215 : i32
          %get3A_217 = arith.index_cast %add3A_216 : i32 to index
          %get3A_218 = tpu.vector_load %arg14[%get3A_217] {strides = array<i32>} : memref<2048xf32, #tpu.memory_space<vmem>>, vector<16xf32>,
          %mul3A_219 = arith.mulf %get3A_214, %get3A_218 : vector<16xf32>
          %add3A_220 = arith.addf %add3A_180, %mul3A_219 : vector<16xf32>
          %add3A_221 = arith.constant 208 : i32
          %add3A_222 = arith.addi %mul3A_91, %add3A_221 : i32
          %get3A_223 = arith.index_cast %add3A_222 : i32 to index
          %get3A_224 = tpu.vector_load %arg16[%get3A_223] {strides = array<i32>} : memref<2048xf32, #tpu.memory_space<vmem>>, vector<16xf32>,
          %add3A_225 = arith.constant 208 : i32
          %add3A_226 = arith.addi %mul3A_91, %add3A_225 : i32
          %get3A_227 = arith.index_cast %add3A_226 : i32 to index
          %get3A_228 = tpu.vector_load %arg14[%get3A_227] {strides = array<i32>} : memref<2048xf32, #tpu.memory_space<vmem>>, vector<16xf32>,
          %mul3A_229 = arith.mulf %get3A_224, %get3A_228 : vector<16xf32>
          %add3A_230 = arith.addf %add3A_190, %mul3A_229 : vector<16xf32>
          %add3A_231 = arith.constant 224 : i32
          %add3A_232 = arith.addi %mul3A_91, %add3A_231 : i32
          %get3A_233 = arith.index_cast %add3A_232 : i32 to index
          %get3A_234 = tpu.vector_load %arg16[%get3A_233] {strides = array<i32>} : memref<2048xf32, #tpu.memory_space<vmem>>, vector<16xf32>,
          %add3A_235 = arith.constant 224 : i32
          %add3A_236 = arith.addi %mul3A_91, %add3A_235 : i32
          %get3A_237 = arith.index_cast %add3A_236 : i32 to index
          %get3A_238 = tpu.vector_load %arg14[%get3A_237] {strides = array<i32>} : memref<2048xf32, #tpu.memory_space<vmem>>, vector<16xf32>,
          %mul3A_239 = arith.mulf %get3A_234, %get3A_238 : vector<16xf32>
          %add3A_240 = arith.addf %add3A_200, %mul3A_239 : vector<16xf32>
          %add3A_241 = arith.constant 240 : i32
          %add3A_242 = arith.addi %mul3A_91, %add3A_241 : i32
          %get3A_243 = arith.index_cast %add3A_242 : i32 to index
          %get3A_244 = tpu.vector_load %arg16[%get3A_243] {strides = array<i32>} : memref<2048xf32, #tpu.memory_space<vmem>>, vector<16xf32>,
          %add3A_245 = arith.constant 240 : i32
          %add3A_246 = arith.addi %mul3A_91, %add3A_245 : i32
          %get3A_247 = arith.index_cast %add3A_246 : i32 to index
          %get3A_248 = tpu.vector_load %arg14[%get3A_247] {strides = array<i32>} : memref<2048xf32, #tpu.memory_space<vmem>>, vector<16xf32>,
          %mul3A_249 = arith.mulf %get3A_244, %get3A_248 : vector<16xf32>
          %add3A_250 = arith.addf %add3A_210, %mul3A_249 : vector<16xf32>
          scf.yield %add3A_220, %add3A_230, %add3A_240, %add3A_250 : vector<16xf32>, vector<16xf32>, vector<16xf32>, vector<16xf32>
        }
        %scan3A_52 = arith.constant 8 : i32
        %add3A_53 = arith.addf %scan3A_51#0, %scan3A_51#1 : vector<16xf32>
        %add3A_54 = arith.addf %scan3A_51#2, %scan3A_51#3 : vector<16xf32>
        %add3A_55 = arith.addf %add3A_53, %add3A_54 : vector<16xf32>
        %iota3A = tpu.iota {dimensions = array<i32: 0>} : vector<16xi32>
        %swap3A = arith.constant 0 : index
        %swap3A_56 = tpu.vector_load %arg21[%swap3A] {strides = array<i32>} : memref<16xf32, #tpu.memory_space<vmem>>, vector<16xf32>,
        tpu.vector_store %arg21[%swap3A], %add3A_55 {strides = array<i32>} : memref<16xf32, #tpu.memory_space<vmem>>, vector<16xf32>,
        %xor3A = arith.constant 8 : i32
        %xor3A_57 = vector.broadcast %xor3A : i32 to vector<16xi32>
        %xor3A_58 = arith.xori %iota3A, %xor3A_57 : vector<16xi32>
        %gather3A = tpu.vector_load_idx %arg21[%xor3A_58] : memref<16xf32, #tpu.memory_space<vmem>>[vector<16xi32>], vector<16xf32>,
        %add3A_59 = arith.addf %add3A_55, %gather3A : vector<16xf32>
        %swap3A_60 = arith.constant 0 : index
        %swap3A_61 = tpu.vector_load %arg21[%swap3A_60] {strides = array<i32>} : memref<16xf32, #tpu.memory_space<vmem>>, vector<16xf32>,
        tpu.vector_store %arg21[%swap3A_60], %add3A_59 {strides = array<i32>} : memref<16xf32, #tpu.memory_space<vmem>>, vector<16xf32>,
        %xor3A_62 = arith.constant 4 : i32
        %xor3A_63 = vector.broadcast %xor3A_62 : i32 to vector<16xi32>
        %xor3A_64 = arith.xori %iota3A, %xor3A_63 : vector<16xi32>
        %gather3A_65 = tpu.vector_load_idx %arg21[%xor3A_64] : memref<16xf32, #tpu.memory_space<vmem>>[vector<16xi32>], vector<16xf32>,
        %add3A_66 = arith.addf %add3A_59, %gather3A_65 : vector<16xf32>
        %swap3A_67 = arith.constant 0 : index
        %swap3A_68 = tpu.vector_load %arg21[%swap3A_67] {strides = array<i32>} : memref<16xf32, #tpu.memory_space<vmem>>, vector<16xf32>,
        tpu.vector_store %arg21[%swap3A_67], %add3A_66 {strides = array<i32>} : memref<16xf32, #tpu.memory_space<vmem>>, vector<16xf32>,
        %xor3A_69 = arith.constant 2 : i32
        %xor3A_70 = vector.broadcast %xor3A_69 : i32 to vector<16xi32>
        %xor3A_71 = arith.xori %iota3A, %xor3A_70 : vector<16xi32>
        %gather3A_72 = tpu.vector_load_idx %arg21[%xor3A_71] : memref<16xf32, #tpu.memory_space<vmem>>[vector<16xi32>], vector<16xf32>,
        %add3A_73 = arith.addf %add3A_66, %gather3A_72 : vector<16xf32>
        %swap3A_74 = arith.constant 0 : index
        %swap3A_75 = tpu.vector_load %arg21[%swap3A_74] {strides = array<i32>} : memref<16xf32, #tpu.memory_space<vmem>>, vector<16xf32>,
        tpu.vector_store %arg21[%swap3A_74], %add3A_73 {strides = array<i32>} : memref<16xf32, #tpu.memory_space<vmem>>, vector<16xf32>,
        %xor3A_76 = arith.constant 1 : i32
        %xor3A_77 = vector.broadcast %xor3A_76 : i32 to vector<16xi32>
        %xor3A_78 = arith.xori %iota3A, %xor3A_77 : vector<16xi32>
        %gather3A_79 = tpu.vector_load_idx %arg21[%xor3A_78] : memref<16xf32, #tpu.memory_space<vmem>>[vector<16xi32>], vector<16xf32>,
        %add3A_80 = arith.addf %add3A_73, %gather3A_79 : vector<16xf32>
        %swap3A_81 = arith.constant 0 : index
        %swap3A_82 = tpu.vector_load %arg18[%swap3A_81] {strides = array<i32>} : memref<16xf32, #tpu.memory_space<vmem>>, vector<16xf32>,
        tpu.vector_store %arg18[%swap3A_81], %add3A_80 {strides = array<i32>} : memref<16xf32, #tpu.memory_space<vmem>>, vector<16xf32>,
        %mul3A_83 = arith.constant 16 : i32
        %mul3A_84 = arith.muli %mul3A_17, %mul3A_83 : i32
        "tpu.region"() ({
          %run_scoped3A = tpu.sem_alloc : memref<!tpu.dma_semaphore, #tpu.memory_space<semaphore_mem>>
          %dma_start3A = tpu.memref_slice %arg19[%mul3A_84] : memref<512xf32, #tpu.memory_space<vmem_shared>> -> memref<16xf32, #tpu.memory_space<vmem_shared>>
          %dma_start3A_85 = tpu.memref_slice %arg19[%mul3A_84] : memref<512xf32, #tpu.memory_space<vmem_shared>> -> memref<16xf32, #tpu.memory_space<vmem_shared>>
          tpu.enqueue_dma source(%arg18 : memref<16xf32, #tpu.memory_space<vmem>>) target(%dma_start3A_85 : memref<16xf32, #tpu.memory_space<vmem_shared>>) target_semaphore(%run_scoped3A : memref<!tpu.dma_semaphore, #tpu.memory_space<semaphore_mem>>)
          %dma_wait3A_86 = tpu.memref_slice %arg19[%mul3A_84] : memref<512xf32, #tpu.memory_space<vmem_shared>> -> memref<16xf32, #tpu.memory_space<vmem_shared>>
          %dma_wait3A_87 = tpu.memref_slice %arg19[%mul3A_84] : memref<512xf32, #tpu.memory_space<vmem_shared>> -> memref<16xf32, #tpu.memory_space<vmem_shared>>
          tpu.wait_dma2 semaphore(%run_scoped3A : memref<!tpu.dma_semaphore, #tpu.memory_space<semaphore_mem>>) src(%arg18 : memref<16xf32, #tpu.memory_space<vmem>>) dst(%dma_wait3A_87 : memref<16xf32, #tpu.memory_space<vmem_shared>>)
          tpu.yield
        }) : () -> ()
      } else {
      }
      %lt3A_35 = arith.constant 31 : i32
      %lt3A_36 = arith.cmpi slt, %add3A_20, %lt3A_35 : i32
      %convert_element_type3A_37 = arith.extui %lt3A_36 : i1 to i32
      %cond3A_38 = arith.constant 0 : i32
      %cond3A_39 = arith.cmpi ne, %convert_element_type3A_37, %cond3A_38 : i32
      scf.if %cond3A_39 {
        %dma_wait3A = arith.constant 0 : i32
        %dma_wait3A_40 = tpu.memref_slice %arg2[%dma_wait3A] : memref<18432xf32, #tpu.memory_space<hbm>> -> memref<2048xf32, #tpu.memory_space<hbm>>
        %dma_wait3A_41 = arith.constant 0 : i32
        %dma_wait3A_42 = tpu.memref_slice %arg2[%dma_wait3A_41] : memref<18432xf32, #tpu.memory_space<hbm>> -> memref<2048xf32, #tpu.memory_space<hbm>>
        tpu.wait_dma2 semaphore(%arg26 : memref<!tpu.dma_semaphore, #tpu.memory_space<semaphore_mem>>) src(%dma_wait3A_42 : memref<2048xf32, #tpu.memory_space<hbm>>) dst(%arg15 : memref<2048xf32, #tpu.memory_space<vmem>>)
        %dma_wait3A_43 = arith.constant 0 : i32
        %dma_wait3A_44 = tpu.memref_slice %arg2[%dma_wait3A_43] : memref<18432xf32, #tpu.memory_space<hbm>> -> memref<2048xf32, #tpu.memory_space<hbm>>
        %dma_wait3A_45 = arith.constant 0 : i32
        %dma_wait3A_46 = tpu.memref_slice %arg2[%dma_wait3A_45] : memref<18432xf32, #tpu.memory_space<hbm>> -> memref<2048xf32, #tpu.memory_space<hbm>>
        tpu.wait_dma2 semaphore(%arg26 : memref<!tpu.dma_semaphore, #tpu.memory_space<semaphore_mem>>) src(%dma_wait3A_46 : memref<2048xf32, #tpu.memory_space<hbm>>) dst(%arg17 : memref<2048xf32, #tpu.memory_space<vmem>>)
        %broadcast_in_dim3A = arith.constant 0.000000e+00 : f32
        %broadcast_in_dim3A_47 = vector.broadcast %broadcast_in_dim3A : f32 to vector<16xf32>
        %scan3A = arith.constant 0 : i32
        %scan3A_48 = arith.constant 8 : i32
        %scan3A_49 = arith.addi %scan3A, %scan3A_48 : i32
        %scan3A_50 = arith.constant 1 : i32
        %scan3A_51:4 = scf.for %scan3A_85 = %scan3A to %scan3A_49 step %scan3A_50 iter_args(%scan3A_86 = %broadcast_in_dim3A_47, %scan3A_87 = %broadcast_in_dim3A_47, %scan3A_88 = %broadcast_in_dim3A_47, %scan3A_89 = %broadcast_in_dim3A_47) -> (vector<16xf32>, vector<16xf32>, vector<16xf32>, vector<16xf32>)  : i32 {
          %mul3A_90 = arith.constant 256 : i32
          %mul3A_91 = arith.muli %scan3A_85, %mul3A_90 : i32
          %add3A_92 = arith.constant 0 : i32
          %add3A_93 = arith.addi %mul3A_91, %add3A_92 : i32
          %get3A = arith.index_cast %add3A_93 : i32 to index
          %get3A_94 = tpu.vector_load %arg17[%get3A] {strides = array<i32>} : memref<2048xf32, #tpu.memory_space<vmem>>, vector<16xf32>,
          %add3A_95 = arith.constant 0 : i32
          %add3A_96 = arith.addi %mul3A_91, %add3A_95 : i32
          %get3A_97 = arith.index_cast %add3A_96 : i32 to index
          %get3A_98 = tpu.vector_load %arg15[%get3A_97] {strides = array<i32>} : memref<2048xf32, #tpu.memory_space<vmem>>, vector<16xf32>,
          %mul3A_99 = arith.mulf %get3A_94, %get3A_98 : vector<16xf32>
          %add3A_100 = arith.addf %scan3A_86, %mul3A_99 : vector<16xf32>
          %add3A_101 = arith.constant 16 : i32
          %add3A_102 = arith.addi %mul3A_91, %add3A_101 : i32
          %get3A_103 = arith.index_cast %add3A_102 : i32 to index
          %get3A_104 = tpu.vector_load %arg17[%get3A_103] {strides = array<i32>} : memref<2048xf32, #tpu.memory_space<vmem>>, vector<16xf32>,
          %add3A_105 = arith.constant 16 : i32
          %add3A_106 = arith.addi %mul3A_91, %add3A_105 : i32
          %get3A_107 = arith.index_cast %add3A_106 : i32 to index
          %get3A_108 = tpu.vector_load %arg15[%get3A_107] {strides = array<i32>} : memref<2048xf32, #tpu.memory_space<vmem>>, vector<16xf32>,
          %mul3A_109 = arith.mulf %get3A_104, %get3A_108 : vector<16xf32>
          %add3A_110 = arith.addf %scan3A_87, %mul3A_109 : vector<16xf32>
          %add3A_111 = arith.constant 32 : i32
          %add3A_112 = arith.addi %mul3A_91, %add3A_111 : i32
          %get3A_113 = arith.index_cast %add3A_112 : i32 to index
          %get3A_114 = tpu.vector_load %arg17[%get3A_113] {strides = array<i32>} : memref<2048xf32, #tpu.memory_space<vmem>>, vector<16xf32>,
          %add3A_115 = arith.constant 32 : i32
          %add3A_116 = arith.addi %mul3A_91, %add3A_115 : i32
          %get3A_117 = arith.index_cast %add3A_116 : i32 to index
          %get3A_118 = tpu.vector_load %arg15[%get3A_117] {strides = array<i32>} : memref<2048xf32, #tpu.memory_space<vmem>>, vector<16xf32>,
          %mul3A_119 = arith.mulf %get3A_114, %get3A_118 : vector<16xf32>
          %add3A_120 = arith.addf %scan3A_88, %mul3A_119 : vector<16xf32>
          %add3A_121 = arith.constant 48 : i32
          %add3A_122 = arith.addi %mul3A_91, %add3A_121 : i32
          %get3A_123 = arith.index_cast %add3A_122 : i32 to index
          %get3A_124 = tpu.vector_load %arg17[%get3A_123] {strides = array<i32>} : memref<2048xf32, #tpu.memory_space<vmem>>, vector<16xf32>,
          %add3A_125 = arith.constant 48 : i32
          %add3A_126 = arith.addi %mul3A_91, %add3A_125 : i32
          %get3A_127 = arith.index_cast %add3A_126 : i32 to index
          %get3A_128 = tpu.vector_load %arg15[%get3A_127] {strides = array<i32>} : memref<2048xf32, #tpu.memory_space<vmem>>, vector<16xf32>,
          %mul3A_129 = arith.mulf %get3A_124, %get3A_128 : vector<16xf32>
          %add3A_130 = arith.addf %scan3A_89, %mul3A_129 : vector<16xf32>
          %add3A_131 = arith.constant 64 : i32
          %add3A_132 = arith.addi %mul3A_91, %add3A_131 : i32
          %get3A_133 = arith.index_cast %add3A_132 : i32 to index
          %get3A_134 = tpu.vector_load %arg17[%get3A_133] {strides = array<i32>} : memref<2048xf32, #tpu.memory_space<vmem>>, vector<16xf32>,
          %add3A_135 = arith.constant 64 : i32
          %add3A_136 = arith.addi %mul3A_91, %add3A_135 : i32
          %get3A_137 = arith.index_cast %add3A_136 : i32 to index
          %get3A_138 = tpu.vector_load %arg15[%get3A_137] {strides = array<i32>} : memref<2048xf32, #tpu.memory_space<vmem>>, vector<16xf32>,
          %mul3A_139 = arith.mulf %get3A_134, %get3A_138 : vector<16xf32>
          %add3A_140 = arith.addf %add3A_100, %mul3A_139 : vector<16xf32>
          %add3A_141 = arith.constant 80 : i32
          %add3A_142 = arith.addi %mul3A_91, %add3A_141 : i32
          %get3A_143 = arith.index_cast %add3A_142 : i32 to index
          %get3A_144 = tpu.vector_load %arg17[%get3A_143] {strides = array<i32>} : memref<2048xf32, #tpu.memory_space<vmem>>, vector<16xf32>,
          %add3A_145 = arith.constant 80 : i32
          %add3A_146 = arith.addi %mul3A_91, %add3A_145 : i32
          %get3A_147 = arith.index_cast %add3A_146 : i32 to index
          %get3A_148 = tpu.vector_load %arg15[%get3A_147] {strides = array<i32>} : memref<2048xf32, #tpu.memory_space<vmem>>, vector<16xf32>,
          %mul3A_149 = arith.mulf %get3A_144, %get3A_148 : vector<16xf32>
          %add3A_150 = arith.addf %add3A_110, %mul3A_149 : vector<16xf32>
          %add3A_151 = arith.constant 96 : i32
          %add3A_152 = arith.addi %mul3A_91, %add3A_151 : i32
          %get3A_153 = arith.index_cast %add3A_152 : i32 to index
          %get3A_154 = tpu.vector_load %arg17[%get3A_153] {strides = array<i32>} : memref<2048xf32, #tpu.memory_space<vmem>>, vector<16xf32>,
          %add3A_155 = arith.constant 96 : i32
          %add3A_156 = arith.addi %mul3A_91, %add3A_155 : i32
          %get3A_157 = arith.index_cast %add3A_156 : i32 to index
          %get3A_158 = tpu.vector_load %arg15[%get3A_157] {strides = array<i32>} : memref<2048xf32, #tpu.memory_space<vmem>>, vector<16xf32>,
          %mul3A_159 = arith.mulf %get3A_154, %get3A_158 : vector<16xf32>
          %add3A_160 = arith.addf %add3A_120, %mul3A_159 : vector<16xf32>
          %add3A_161 = arith.constant 112 : i32
          %add3A_162 = arith.addi %mul3A_91, %add3A_161 : i32
          %get3A_163 = arith.index_cast %add3A_162 : i32 to index
          %get3A_164 = tpu.vector_load %arg17[%get3A_163] {strides = array<i32>} : memref<2048xf32, #tpu.memory_space<vmem>>, vector<16xf32>,
          %add3A_165 = arith.constant 112 : i32
          %add3A_166 = arith.addi %mul3A_91, %add3A_165 : i32
          %get3A_167 = arith.index_cast %add3A_166 : i32 to index
          %get3A_168 = tpu.vector_load %arg15[%get3A_167] {strides = array<i32>} : memref<2048xf32, #tpu.memory_space<vmem>>, vector<16xf32>,
          %mul3A_169 = arith.mulf %get3A_164, %get3A_168 : vector<16xf32>
          %add3A_170 = arith.addf %add3A_130, %mul3A_169 : vector<16xf32>
          %add3A_171 = arith.constant 128 : i32
          %add3A_172 = arith.addi %mul3A_91, %add3A_171 : i32
          %get3A_173 = arith.index_cast %add3A_172 : i32 to index
          %get3A_174 = tpu.vector_load %arg17[%get3A_173] {strides = array<i32>} : memref<2048xf32, #tpu.memory_space<vmem>>, vector<16xf32>,
          %add3A_175 = arith.constant 128 : i32
          %add3A_176 = arith.addi %mul3A_91, %add3A_175 : i32
          %get3A_177 = arith.index_cast %add3A_176 : i32 to index
          %get3A_178 = tpu.vector_load %arg15[%get3A_177] {strides = array<i32>} : memref<2048xf32, #tpu.memory_space<vmem>>, vector<16xf32>,
          %mul3A_179 = arith.mulf %get3A_174, %get3A_178 : vector<16xf32>
          %add3A_180 = arith.addf %add3A_140, %mul3A_179 : vector<16xf32>
          %add3A_181 = arith.constant 144 : i32
          %add3A_182 = arith.addi %mul3A_91, %add3A_181 : i32
          %get3A_183 = arith.index_cast %add3A_182 : i32 to index
          %get3A_184 = tpu.vector_load %arg17[%get3A_183] {strides = array<i32>} : memref<2048xf32, #tpu.memory_space<vmem>>, vector<16xf32>,
          %add3A_185 = arith.constant 144 : i32
          %add3A_186 = arith.addi %mul3A_91, %add3A_185 : i32
          %get3A_187 = arith.index_cast %add3A_186 : i32 to index
          %get3A_188 = tpu.vector_load %arg15[%get3A_187] {strides = array<i32>} : memref<2048xf32, #tpu.memory_space<vmem>>, vector<16xf32>,
          %mul3A_189 = arith.mulf %get3A_184, %get3A_188 : vector<16xf32>
          %add3A_190 = arith.addf %add3A_150, %mul3A_189 : vector<16xf32>
          %add3A_191 = arith.constant 160 : i32
          %add3A_192 = arith.addi %mul3A_91, %add3A_191 : i32
          %get3A_193 = arith.index_cast %add3A_192 : i32 to index
          %get3A_194 = tpu.vector_load %arg17[%get3A_193] {strides = array<i32>} : memref<2048xf32, #tpu.memory_space<vmem>>, vector<16xf32>,
          %add3A_195 = arith.constant 160 : i32
          %add3A_196 = arith.addi %mul3A_91, %add3A_195 : i32
          %get3A_197 = arith.index_cast %add3A_196 : i32 to index
          %get3A_198 = tpu.vector_load %arg15[%get3A_197] {strides = array<i32>} : memref<2048xf32, #tpu.memory_space<vmem>>, vector<16xf32>,
          %mul3A_199 = arith.mulf %get3A_194, %get3A_198 : vector<16xf32>
          %add3A_200 = arith.addf %add3A_160, %mul3A_199 : vector<16xf32>
          %add3A_201 = arith.constant 176 : i32
          %add3A_202 = arith.addi %mul3A_91, %add3A_201 : i32
          %get3A_203 = arith.index_cast %add3A_202 : i32 to index
          %get3A_204 = tpu.vector_load %arg17[%get3A_203] {strides = array<i32>} : memref<2048xf32, #tpu.memory_space<vmem>>, vector<16xf32>,
          %add3A_205 = arith.constant 176 : i32
          %add3A_206 = arith.addi %mul3A_91, %add3A_205 : i32
          %get3A_207 = arith.index_cast %add3A_206 : i32 to index
          %get3A_208 = tpu.vector_load %arg15[%get3A_207] {strides = array<i32>} : memref<2048xf32, #tpu.memory_space<vmem>>, vector<16xf32>,
          %mul3A_209 = arith.mulf %get3A_204, %get3A_208 : vector<16xf32>
          %add3A_210 = arith.addf %add3A_170, %mul3A_209 : vector<16xf32>
          %add3A_211 = arith.constant 192 : i32
          %add3A_212 = arith.addi %mul3A_91, %add3A_211 : i32
          %get3A_213 = arith.index_cast %add3A_212 : i32 to index
          %get3A_214 = tpu.vector_load %arg17[%get3A_213] {strides = array<i32>} : memref<2048xf32, #tpu.memory_space<vmem>>, vector<16xf32>,
          %add3A_215 = arith.constant 192 : i32
          %add3A_216 = arith.addi %mul3A_91, %add3A_215 : i32
          %get3A_217 = arith.index_cast %add3A_216 : i32 to index
          %get3A_218 = tpu.vector_load %arg15[%get3A_217] {strides = array<i32>} : memref<2048xf32, #tpu.memory_space<vmem>>, vector<16xf32>,
          %mul3A_219 = arith.mulf %get3A_214, %get3A_218 : vector<16xf32>
          %add3A_220 = arith.addf %add3A_180, %mul3A_219 : vector<16xf32>
          %add3A_221 = arith.constant 208 : i32
          %add3A_222 = arith.addi %mul3A_91, %add3A_221 : i32
          %get3A_223 = arith.index_cast %add3A_222 : i32 to index
          %get3A_224 = tpu.vector_load %arg17[%get3A_223] {strides = array<i32>} : memref<2048xf32, #tpu.memory_space<vmem>>, vector<16xf32>,
          %add3A_225 = arith.constant 208 : i32
          %add3A_226 = arith.addi %mul3A_91, %add3A_225 : i32
          %get3A_227 = arith.index_cast %add3A_226 : i32 to index
          %get3A_228 = tpu.vector_load %arg15[%get3A_227] {strides = array<i32>} : memref<2048xf32, #tpu.memory_space<vmem>>, vector<16xf32>,
          %mul3A_229 = arith.mulf %get3A_224, %get3A_228 : vector<16xf32>
          %add3A_230 = arith.addf %add3A_190, %mul3A_229 : vector<16xf32>
          %add3A_231 = arith.constant 224 : i32
          %add3A_232 = arith.addi %mul3A_91, %add3A_231 : i32
          %get3A_233 = arith.index_cast %add3A_232 : i32 to index
          %get3A_234 = tpu.vector_load %arg17[%get3A_233] {strides = array<i32>} : memref<2048xf32, #tpu.memory_space<vmem>>, vector<16xf32>,
          %add3A_235 = arith.constant 224 : i32
          %add3A_236 = arith.addi %mul3A_91, %add3A_235 : i32
          %get3A_237 = arith.index_cast %add3A_236 : i32 to index
          %get3A_238 = tpu.vector_load %arg15[%get3A_237] {strides = array<i32>} : memref<2048xf32, #tpu.memory_space<vmem>>, vector<16xf32>,
          %mul3A_239 = arith.mulf %get3A_234, %get3A_238 : vector<16xf32>
          %add3A_240 = arith.addf %add3A_200, %mul3A_239 : vector<16xf32>
          %add3A_241 = arith.constant 240 : i32
          %add3A_242 = arith.addi %mul3A_91, %add3A_241 : i32
          %get3A_243 = arith.index_cast %add3A_242 : i32 to index
          %get3A_244 = tpu.vector_load %arg17[%get3A_243] {strides = array<i32>} : memref<2048xf32, #tpu.memory_space<vmem>>, vector<16xf32>,
          %add3A_245 = arith.constant 240 : i32
          %add3A_246 = arith.addi %mul3A_91, %add3A_245 : i32
          %get3A_247 = arith.index_cast %add3A_246 : i32 to index
          %get3A_248 = tpu.vector_load %arg15[%get3A_247] {strides = array<i32>} : memref<2048xf32, #tpu.memory_space<vmem>>, vector<16xf32>,
          %mul3A_249 = arith.mulf %get3A_244, %get3A_248 : vector<16xf32>
          %add3A_250 = arith.addf %add3A_210, %mul3A_249 : vector<16xf32>
          scf.yield %add3A_220, %add3A_230, %add3A_240, %add3A_250 : vector<16xf32>, vector<16xf32>, vector<16xf32>, vector<16xf32>
        }
        %scan3A_52 = arith.constant 8 : i32
        %add3A_53 = arith.addf %scan3A_51#0, %scan3A_51#1 : vector<16xf32>
        %add3A_54 = arith.addf %scan3A_51#2, %scan3A_51#3 : vector<16xf32>
        %add3A_55 = arith.addf %add3A_53, %add3A_54 : vector<16xf32>
        %iota3A = tpu.iota {dimensions = array<i32: 0>} : vector<16xi32>
        %swap3A = arith.constant 0 : index
        %swap3A_56 = tpu.vector_load %arg21[%swap3A] {strides = array<i32>} : memref<16xf32, #tpu.memory_space<vmem>>, vector<16xf32>,
        tpu.vector_store %arg21[%swap3A], %add3A_55 {strides = array<i32>} : memref<16xf32, #tpu.memory_space<vmem>>, vector<16xf32>,
        %xor3A = arith.constant 8 : i32
        %xor3A_57 = vector.broadcast %xor3A : i32 to vector<16xi32>
        %xor3A_58 = arith.xori %iota3A, %xor3A_57 : vector<16xi32>
        %gather3A = tpu.vector_load_idx %arg21[%xor3A_58] : memref<16xf32, #tpu.memory_space<vmem>>[vector<16xi32>], vector<16xf32>,
        %add3A_59 = arith.addf %add3A_55, %gather3A : vector<16xf32>
        %swap3A_60 = arith.constant 0 : index
        %swap3A_61 = tpu.vector_load %arg21[%swap3A_60] {strides = array<i32>} : memref<16xf32, #tpu.memory_space<vmem>>, vector<16xf32>,
        tpu.vector_store %arg21[%swap3A_60], %add3A_59 {strides = array<i32>} : memref<16xf32, #tpu.memory_space<vmem>>, vector<16xf32>,
        %xor3A_62 = arith.constant 4 : i32
        %xor3A_63 = vector.broadcast %xor3A_62 : i32 to vector<16xi32>
        %xor3A_64 = arith.xori %iota3A, %xor3A_63 : vector<16xi32>
        %gather3A_65 = tpu.vector_load_idx %arg21[%xor3A_64] : memref<16xf32, #tpu.memory_space<vmem>>[vector<16xi32>], vector<16xf32>,
        %add3A_66 = arith.addf %add3A_59, %gather3A_65 : vector<16xf32>
        %swap3A_67 = arith.constant 0 : index
        %swap3A_68 = tpu.vector_load %arg21[%swap3A_67] {strides = array<i32>} : memref<16xf32, #tpu.memory_space<vmem>>, vector<16xf32>,
        tpu.vector_store %arg21[%swap3A_67], %add3A_66 {strides = array<i32>} : memref<16xf32, #tpu.memory_space<vmem>>, vector<16xf32>,
        %xor3A_69 = arith.constant 2 : i32
        %xor3A_70 = vector.broadcast %xor3A_69 : i32 to vector<16xi32>
        %xor3A_71 = arith.xori %iota3A, %xor3A_70 : vector<16xi32>
        %gather3A_72 = tpu.vector_load_idx %arg21[%xor3A_71] : memref<16xf32, #tpu.memory_space<vmem>>[vector<16xi32>], vector<16xf32>,
        %add3A_73 = arith.addf %add3A_66, %gather3A_72 : vector<16xf32>
        %swap3A_74 = arith.constant 0 : index
        %swap3A_75 = tpu.vector_load %arg21[%swap3A_74] {strides = array<i32>} : memref<16xf32, #tpu.memory_space<vmem>>, vector<16xf32>,
        tpu.vector_store %arg21[%swap3A_74], %add3A_73 {strides = array<i32>} : memref<16xf32, #tpu.memory_space<vmem>>, vector<16xf32>,
        %xor3A_76 = arith.constant 1 : i32
        %xor3A_77 = vector.broadcast %xor3A_76 : i32 to vector<16xi32>
        %xor3A_78 = arith.xori %iota3A, %xor3A_77 : vector<16xi32>
        %gather3A_79 = tpu.vector_load_idx %arg21[%xor3A_78] : memref<16xf32, #tpu.memory_space<vmem>>[vector<16xi32>], vector<16xf32>,
        %add3A_80 = arith.addf %add3A_73, %gather3A_79 : vector<16xf32>
        %swap3A_81 = arith.constant 0 : index
        %swap3A_82 = tpu.vector_load %arg18[%swap3A_81] {strides = array<i32>} : memref<16xf32, #tpu.memory_space<vmem>>, vector<16xf32>,
        tpu.vector_store %arg18[%swap3A_81], %add3A_80 {strides = array<i32>} : memref<16xf32, #tpu.memory_space<vmem>>, vector<16xf32>,
        %mul3A_83 = arith.constant 16 : i32
        %mul3A_84 = arith.muli %add3A_20, %mul3A_83 : i32
        "tpu.region"() ({
          %run_scoped3A = tpu.sem_alloc : memref<!tpu.dma_semaphore, #tpu.memory_space<semaphore_mem>>
          %dma_start3A = tpu.memref_slice %arg19[%mul3A_84] : memref<512xf32, #tpu.memory_space<vmem_shared>> -> memref<16xf32, #tpu.memory_space<vmem_shared>>
          %dma_start3A_85 = tpu.memref_slice %arg19[%mul3A_84] : memref<512xf32, #tpu.memory_space<vmem_shared>> -> memref<16xf32, #tpu.memory_space<vmem_shared>>
          tpu.enqueue_dma source(%arg18 : memref<16xf32, #tpu.memory_space<vmem>>) target(%dma_start3A_85 : memref<16xf32, #tpu.memory_space<vmem_shared>>) target_semaphore(%run_scoped3A : memref<!tpu.dma_semaphore, #tpu.memory_space<semaphore_mem>>)
          %dma_wait3A_86 = tpu.memref_slice %arg19[%mul3A_84] : memref<512xf32, #tpu.memory_space<vmem_shared>> -> memref<16xf32, #tpu.memory_space<vmem_shared>>
          %dma_wait3A_87 = tpu.memref_slice %arg19[%mul3A_84] : memref<512xf32, #tpu.memory_space<vmem_shared>> -> memref<16xf32, #tpu.memory_space<vmem_shared>>
          tpu.wait_dma2 semaphore(%run_scoped3A : memref<!tpu.dma_semaphore, #tpu.memory_space<semaphore_mem>>) src(%arg18 : memref<16xf32, #tpu.memory_space<vmem>>) dst(%dma_wait3A_87 : memref<16xf32, #tpu.memory_space<vmem_shared>>)
          tpu.yield
        }) : () -> ()
      } else {
      }
    } else {
    }
    %barrier3A = arith.constant 0 : index
    tpu.barrier barrier_id(%barrier3A)
    %eq3A_9 = arith.constant 0 : i32
    %eq3A_10 = arith.cmpi eq, %arg0, %eq3A_9 : i32
    %eq3A_11 = arith.constant 0 : i32
    %eq3A_12 = arith.cmpi eq, %arg1, %eq3A_11 : i32
    %and3A_13 = arith.andi %eq3A_10, %eq3A_12 : i1
    %convert_element_type3A_14 = arith.extui %and3A_13 : i1 to i32
    %cond3A_15 = arith.constant 0 : i32
    %cond3A_16 = arith.cmpi ne, %convert_element_type3A_14, %cond3A_15 : i32
    scf.if %cond3A_16 {
      "tpu.region"() ({
        %run_scoped3A = tpu.sem_alloc : memref<!tpu.dma_semaphore, #tpu.memory_space<semaphore_mem>>
        tpu.enqueue_dma source(%arg19 : memref<512xf32, #tpu.memory_space<vmem_shared>>) target(%arg20 : memref<512xf32, #tpu.memory_space<vmem>>) target_semaphore(%run_scoped3A : memref<!tpu.dma_semaphore, #tpu.memory_space<semaphore_mem>>)
        tpu.wait_dma2 semaphore(%run_scoped3A : memref<!tpu.dma_semaphore, #tpu.memory_space<semaphore_mem>>) src(%arg19 : memref<512xf32, #tpu.memory_space<vmem_shared>>) dst(%arg20 : memref<512xf32, #tpu.memory_space<vmem>>)
        tpu.yield
      }) : () -> ()
      %dma_wait3A = arith.constant 0 : i32
      %dma_wait3A_17 = tpu.memref_slice %arg23[%dma_wait3A] : memref<80xf32, #tpu.memory_space<vmem>> -> memref<1xf32, #tpu.memory_space<vmem>>
      %dma_wait3A_18 = arith.constant 0 : i32
      %dma_wait3A_19 = tpu.memref_slice %arg23[%dma_wait3A_18] : memref<80xf32, #tpu.memory_space<vmem>> -> memref<1xf32, #tpu.memory_space<vmem>>
      tpu.wait_dma2 semaphore(%arg27 : memref<!tpu.dma_semaphore, #tpu.memory_space<semaphore_mem>>) src(%arg6 : memref<1xf32, #tpu.memory_space<hbm>>) dst(%dma_wait3A_19 : memref<1xf32, #tpu.memory_space<vmem>>)
      %dma_wait3A_20 = arith.constant 8 : i32
      %dma_wait3A_21 = tpu.memref_slice %arg23[%dma_wait3A_20] : memref<80xf32, #tpu.memory_space<vmem>> -> memref<2xf32, #tpu.memory_space<vmem>>
      %dma_wait3A_22 = arith.constant 8 : i32
      %dma_wait3A_23 = tpu.memref_slice %arg23[%dma_wait3A_22] : memref<80xf32, #tpu.memory_space<vmem>> -> memref<2xf32, #tpu.memory_space<vmem>>
      tpu.wait_dma2 semaphore(%arg27 : memref<!tpu.dma_semaphore, #tpu.memory_space<semaphore_mem>>) src(%arg8 : memref<2xf32, #tpu.memory_space<hbm>>) dst(%dma_wait3A_23 : memref<2xf32, #tpu.memory_space<vmem>>)
      %dma_wait3A_24 = arith.constant 16 : i32
      %dma_wait3A_25 = tpu.memref_slice %arg23[%dma_wait3A_24] : memref<80xf32, #tpu.memory_space<vmem>> -> memref<4xf32, #tpu.memory_space<vmem>>
      %dma_wait3A_26 = arith.constant 16 : i32
      %dma_wait3A_27 = tpu.memref_slice %arg23[%dma_wait3A_26] : memref<80xf32, #tpu.memory_space<vmem>> -> memref<4xf32, #tpu.memory_space<vmem>>
      tpu.wait_dma2 semaphore(%arg27 : memref<!tpu.dma_semaphore, #tpu.memory_space<semaphore_mem>>) src(%arg10 : memref<4xf32, #tpu.memory_space<hbm>>) dst(%dma_wait3A_27 : memref<4xf32, #tpu.memory_space<vmem>>)
      %dma_wait3A_28 = arith.constant 24 : i32
      %dma_wait3A_29 = tpu.memref_slice %arg23[%dma_wait3A_28] : memref<80xf32, #tpu.memory_space<vmem>> -> memref<1xf32, #tpu.memory_space<vmem>>
      %dma_wait3A_30 = arith.constant 24 : i32
      %dma_wait3A_31 = tpu.memref_slice %arg23[%dma_wait3A_30] : memref<80xf32, #tpu.memory_space<vmem>> -> memref<1xf32, #tpu.memory_space<vmem>>
      tpu.wait_dma2 semaphore(%arg27 : memref<!tpu.dma_semaphore, #tpu.memory_space<semaphore_mem>>) src(%arg7 : memref<1xf32, #tpu.memory_space<hbm>>) dst(%dma_wait3A_31 : memref<1xf32, #tpu.memory_space<vmem>>)
      %dma_wait3A_32 = arith.constant 32 : i32
      %dma_wait3A_33 = tpu.memref_slice %arg23[%dma_wait3A_32] : memref<80xf32, #tpu.memory_space<vmem>> -> memref<2xf32, #tpu.memory_space<vmem>>
      %dma_wait3A_34 = arith.constant 32 : i32
      %dma_wait3A_35 = tpu.memref_slice %arg23[%dma_wait3A_34] : memref<80xf32, #tpu.memory_space<vmem>> -> memref<2xf32, #tpu.memory_space<vmem>>
      tpu.wait_dma2 semaphore(%arg27 : memref<!tpu.dma_semaphore, #tpu.memory_space<semaphore_mem>>) src(%arg9 : memref<2xf32, #tpu.memory_space<hbm>>) dst(%dma_wait3A_35 : memref<2xf32, #tpu.memory_space<vmem>>)
      %dma_wait3A_36 = arith.constant 40 : i32
      %dma_wait3A_37 = tpu.memref_slice %arg23[%dma_wait3A_36] : memref<80xf32, #tpu.memory_space<vmem>> -> memref<4xf32, #tpu.memory_space<vmem>>
      %dma_wait3A_38 = arith.constant 40 : i32
      %dma_wait3A_39 = tpu.memref_slice %arg23[%dma_wait3A_38] : memref<80xf32, #tpu.memory_space<vmem>> -> memref<4xf32, #tpu.memory_space<vmem>>
      tpu.wait_dma2 semaphore(%arg27 : memref<!tpu.dma_semaphore, #tpu.memory_space<semaphore_mem>>) src(%arg11 : memref<4xf32, #tpu.memory_space<hbm>>) dst(%dma_wait3A_39 : memref<4xf32, #tpu.memory_space<vmem>>)
      %dma_wait3A_40 = arith.constant 48 : i32
      %dma_wait3A_41 = tpu.memref_slice %arg23[%dma_wait3A_40] : memref<80xf32, #tpu.memory_space<vmem>> -> memref<8xf32, #tpu.memory_space<vmem>>
      %dma_wait3A_42 = arith.constant 48 : i32
      %dma_wait3A_43 = tpu.memref_slice %arg23[%dma_wait3A_42] : memref<80xf32, #tpu.memory_space<vmem>> -> memref<8xf32, #tpu.memory_space<vmem>>
      tpu.wait_dma2 semaphore(%arg27 : memref<!tpu.dma_semaphore, #tpu.memory_space<semaphore_mem>>) src(%arg12 : memref<8xf32, #tpu.memory_space<hbm>>) dst(%dma_wait3A_43 : memref<8xf32, #tpu.memory_space<vmem>>)
      %get3A = arith.constant 0 : index
      %get3A_44 = tpu.vector_load %arg20[%get3A] {strides = array<i32>} : memref<512xf32, #tpu.memory_space<vmem>>, vector<16xf32>,
      %get3A_45 = arith.constant 16 : index
      %get3A_46 = tpu.vector_load %arg20[%get3A_45] {strides = array<i32>} : memref<512xf32, #tpu.memory_space<vmem>>, vector<16xf32>,
      %add3A = arith.addf %get3A_44, %get3A_46 : vector<16xf32>
      %get3A_47 = arith.constant 32 : index
      %get3A_48 = tpu.vector_load %arg20[%get3A_47] {strides = array<i32>} : memref<512xf32, #tpu.memory_space<vmem>>, vector<16xf32>,
      %add3A_49 = arith.addf %add3A, %get3A_48 : vector<16xf32>
      %get3A_50 = arith.constant 48 : index
      %get3A_51 = tpu.vector_load %arg20[%get3A_50] {strides = array<i32>} : memref<512xf32, #tpu.memory_space<vmem>>, vector<16xf32>,
      %add3A_52 = arith.addf %add3A_49, %get3A_51 : vector<16xf32>
      %get3A_53 = arith.constant 64 : index
      %get3A_54 = tpu.vector_load %arg20[%get3A_53] {strides = array<i32>} : memref<512xf32, #tpu.memory_space<vmem>>, vector<16xf32>,
      %add3A_55 = arith.addf %add3A_52, %get3A_54 : vector<16xf32>
      %get3A_56 = arith.constant 80 : index
      %get3A_57 = tpu.vector_load %arg20[%get3A_56] {strides = array<i32>} : memref<512xf32, #tpu.memory_space<vmem>>, vector<16xf32>,
      %add3A_58 = arith.addf %add3A_55, %get3A_57 : vector<16xf32>
      %get3A_59 = arith.constant 96 : index
      %get3A_60 = tpu.vector_load %arg20[%get3A_59] {strides = array<i32>} : memref<512xf32, #tpu.memory_space<vmem>>, vector<16xf32>,
      %add3A_61 = arith.addf %add3A_58, %get3A_60 : vector<16xf32>
      %get3A_62 = arith.constant 112 : index
      %get3A_63 = tpu.vector_load %arg20[%get3A_62] {strides = array<i32>} : memref<512xf32, #tpu.memory_space<vmem>>, vector<16xf32>,
      %add3A_64 = arith.addf %add3A_61, %get3A_63 : vector<16xf32>
      %get3A_65 = arith.constant 128 : index
      %get3A_66 = tpu.vector_load %arg20[%get3A_65] {strides = array<i32>} : memref<512xf32, #tpu.memory_space<vmem>>, vector<16xf32>,
      %add3A_67 = arith.addf %add3A_64, %get3A_66 : vector<16xf32>
      %get3A_68 = arith.constant 144 : index
      %get3A_69 = tpu.vector_load %arg20[%get3A_68] {strides = array<i32>} : memref<512xf32, #tpu.memory_space<vmem>>, vector<16xf32>,
      %get3A_70 = arith.constant 160 : index
      %get3A_71 = tpu.vector_load %arg20[%get3A_70] {strides = array<i32>} : memref<512xf32, #tpu.memory_space<vmem>>, vector<16xf32>,
      %add3A_72 = arith.addf %get3A_69, %get3A_71 : vector<16xf32>
      %get3A_73 = arith.constant 176 : index
      %get3A_74 = tpu.vector_load %arg20[%get3A_73] {strides = array<i32>} : memref<512xf32, #tpu.memory_space<vmem>>, vector<16xf32>,
      %add3A_75 = arith.addf %add3A_72, %get3A_74 : vector<16xf32>
      %get3A_76 = arith.constant 192 : index
      %get3A_77 = tpu.vector_load %arg20[%get3A_76] {strides = array<i32>} : memref<512xf32, #tpu.memory_space<vmem>>, vector<16xf32>,
      %add3A_78 = arith.addf %add3A_75, %get3A_77 : vector<16xf32>
      %get3A_79 = arith.constant 208 : index
      %get3A_80 = tpu.vector_load %arg20[%get3A_79] {strides = array<i32>} : memref<512xf32, #tpu.memory_space<vmem>>, vector<16xf32>,
      %add3A_81 = arith.addf %add3A_78, %get3A_80 : vector<16xf32>
      %get3A_82 = arith.constant 224 : index
      %get3A_83 = tpu.vector_load %arg20[%get3A_82] {strides = array<i32>} : memref<512xf32, #tpu.memory_space<vmem>>, vector<16xf32>,
      %get3A_84 = arith.constant 240 : index
      %get3A_85 = tpu.vector_load %arg20[%get3A_84] {strides = array<i32>} : memref<512xf32, #tpu.memory_space<vmem>>, vector<16xf32>,
      %add3A_86 = arith.addf %get3A_83, %get3A_85 : vector<16xf32>
      %get3A_87 = arith.constant 256 : index
      %get3A_88 = tpu.vector_load %arg20[%get3A_87] {strides = array<i32>} : memref<512xf32, #tpu.memory_space<vmem>>, vector<16xf32>,
      %add3A_89 = arith.addf %add3A_86, %get3A_88 : vector<16xf32>
      %get3A_90 = arith.constant 272 : index
      %get3A_91 = tpu.vector_load %arg20[%get3A_90] {strides = array<i32>} : memref<512xf32, #tpu.memory_space<vmem>>, vector<16xf32>,
      %add3A_92 = arith.addf %add3A_89, %get3A_91 : vector<16xf32>
      %get3A_93 = arith.constant 288 : index
      %get3A_94 = tpu.vector_load %arg20[%get3A_93] {strides = array<i32>} : memref<512xf32, #tpu.memory_space<vmem>>, vector<16xf32>,
      %add3A_95 = arith.addf %add3A_92, %get3A_94 : vector<16xf32>
      %get3A_96 = arith.constant 304 : index
      %get3A_97 = tpu.vector_load %arg20[%get3A_96] {strides = array<i32>} : memref<512xf32, #tpu.memory_space<vmem>>, vector<16xf32>,
      %get3A_98 = arith.constant 320 : index
      %get3A_99 = tpu.vector_load %arg20[%get3A_98] {strides = array<i32>} : memref<512xf32, #tpu.memory_space<vmem>>, vector<16xf32>,
      %add3A_100 = arith.addf %get3A_97, %get3A_99 : vector<16xf32>
      %get3A_101 = arith.constant 336 : index
      %get3A_102 = tpu.vector_load %arg20[%get3A_101] {strides = array<i32>} : memref<512xf32, #tpu.memory_space<vmem>>, vector<16xf32>,
      %add3A_103 = arith.addf %add3A_100, %get3A_102 : vector<16xf32>
      %get3A_104 = arith.constant 352 : index
      %get3A_105 = tpu.vector_load %arg20[%get3A_104] {strides = array<i32>} : memref<512xf32, #tpu.memory_space<vmem>>, vector<16xf32>,
      %get3A_106 = arith.constant 368 : index
      %get3A_107 = tpu.vector_load %arg20[%get3A_106] {strides = array<i32>} : memref<512xf32, #tpu.memory_space<vmem>>, vector<16xf32>,
      %add3A_108 = arith.addf %get3A_105, %get3A_107 : vector<16xf32>
      %get3A_109 = arith.constant 384 : index
      %get3A_110 = tpu.vector_load %arg20[%get3A_109] {strides = array<i32>} : memref<512xf32, #tpu.memory_space<vmem>>, vector<16xf32>,
      %add3A_111 = arith.addf %add3A_108, %get3A_110 : vector<16xf32>
      %get3A_112 = arith.constant 400 : index
      %get3A_113 = tpu.vector_load %arg20[%get3A_112] {strides = array<i32>} : memref<512xf32, #tpu.memory_space<vmem>>, vector<16xf32>,
      %get3A_114 = arith.constant 416 : index
      %get3A_115 = tpu.vector_load %arg20[%get3A_114] {strides = array<i32>} : memref<512xf32, #tpu.memory_space<vmem>>, vector<16xf32>,
      %add3A_116 = arith.addf %get3A_113, %get3A_115 : vector<16xf32>
      %get3A_117 = arith.constant 432 : index
      %get3A_118 = tpu.vector_load %arg20[%get3A_117] {strides = array<i32>} : memref<512xf32, #tpu.memory_space<vmem>>, vector<16xf32>,
      %add3A_119 = arith.addf %add3A_116, %get3A_118 : vector<16xf32>
      %get3A_120 = arith.constant 448 : index
      %get3A_121 = tpu.vector_load %arg20[%get3A_120] {strides = array<i32>} : memref<512xf32, #tpu.memory_space<vmem>>, vector<16xf32>,
      %get3A_122 = arith.constant 464 : index
      %get3A_123 = tpu.vector_load %arg20[%get3A_122] {strides = array<i32>} : memref<512xf32, #tpu.memory_space<vmem>>, vector<16xf32>,
      %add3A_124 = arith.addf %get3A_121, %get3A_123 : vector<16xf32>
      %get3A_125 = arith.constant 480 : index
      %get3A_126 = tpu.vector_load %arg20[%get3A_125] {strides = array<i32>} : memref<512xf32, #tpu.memory_space<vmem>>, vector<16xf32>,
      %add3A_127 = arith.addf %add3A_124, %get3A_126 : vector<16xf32>
      %broadcast_in_dim3A = arith.constant 0.000000e+00 : f32
      %broadcast_in_dim3A_128 = vector.broadcast %broadcast_in_dim3A : f32 to vector<16xf32>
      %iota3A = tpu.iota {dimensions = array<i32: 0>} : vector<16xi32>
      %eq3A_129 = arith.constant 1 : i32
      %eq3A_130 = vector.broadcast %eq3A_129 : i32 to vector<16xi32>
      %eq3A_131 = arith.cmpi eq, %iota3A, %eq3A_130 : vector<16xi32>
      %select_n3A = arith.select %eq3A_131, %add3A_67, %broadcast_in_dim3A_128 : vector<16xi1>, vector<16xf32>
      %eq3A_132 = arith.constant 2 : i32
      %eq3A_133 = vector.broadcast %eq3A_132 : i32 to vector<16xi32>
      %eq3A_134 = arith.cmpi eq, %iota3A, %eq3A_133 : vector<16xi32>
      %select_n3A_135 = arith.select %eq3A_134, %add3A_81, %select_n3A : vector<16xi1>, vector<16xf32>
      %eq3A_136 = arith.constant 3 : i32
      %eq3A_137 = vector.broadcast %eq3A_136 : i32 to vector<16xi32>
      %eq3A_138 = arith.cmpi eq, %iota3A, %eq3A_137 : vector<16xi32>
      %select_n3A_139 = arith.select %eq3A_138, %add3A_95, %select_n3A_135 : vector<16xi1>, vector<16xf32>
      %eq3A_140 = arith.constant 4 : i32
      %eq3A_141 = vector.broadcast %eq3A_140 : i32 to vector<16xi32>
      %eq3A_142 = arith.cmpi eq, %iota3A, %eq3A_141 : vector<16xi32>
      %select_n3A_143 = arith.select %eq3A_142, %add3A_103, %select_n3A_139 : vector<16xi1>, vector<16xf32>
      %eq3A_144 = arith.constant 5 : i32
      %eq3A_145 = vector.broadcast %eq3A_144 : i32 to vector<16xi32>
      %eq3A_146 = arith.cmpi eq, %iota3A, %eq3A_145 : vector<16xi32>
      %select_n3A_147 = arith.select %eq3A_146, %add3A_111, %select_n3A_143 : vector<16xi1>, vector<16xf32>
      %eq3A_148 = arith.constant 6 : i32
      %eq3A_149 = vector.broadcast %eq3A_148 : i32 to vector<16xi32>
      %eq3A_150 = arith.cmpi eq, %iota3A, %eq3A_149 : vector<16xi32>
      %select_n3A_151 = arith.select %eq3A_150, %add3A_119, %select_n3A_147 : vector<16xi1>, vector<16xf32>
      %eq3A_152 = arith.constant 7 : i32
      %eq3A_153 = vector.broadcast %eq3A_152 : i32 to vector<16xi32>
      %eq3A_154 = arith.cmpi eq, %iota3A, %eq3A_153 : vector<16xi32>
      %select_n3A_155 = arith.select %eq3A_154, %add3A_127, %select_n3A_151 : vector<16xi1>, vector<16xf32>
      %eq3A_156 = arith.constant 1 : i32
      %eq3A_157 = vector.broadcast %eq3A_156 : i32 to vector<16xi32>
      %eq3A_158 = arith.cmpi eq, %iota3A, %eq3A_157 : vector<16xi32>
      %eq3A_159 = arith.constant 2 : i32
      %eq3A_160 = vector.broadcast %eq3A_159 : i32 to vector<16xi32>
      %eq3A_161 = arith.cmpi eq, %iota3A, %eq3A_160 : vector<16xi32>
      %eq3A_162 = arith.constant 3 : i32
      %eq3A_163 = vector.broadcast %eq3A_162 : i32 to vector<16xi32>
      %eq3A_164 = arith.cmpi eq, %iota3A, %eq3A_163 : vector<16xi32>
      %ge3A = arith.constant 4 : i32
      %ge3A_165 = vector.broadcast %ge3A : i32 to vector<16xi32>
      %ge3A_166 = arith.cmpi sge, %iota3A, %ge3A_165 : vector<16xi32>
      %lt3A = arith.constant 8 : i32
      %lt3A_167 = vector.broadcast %lt3A : i32 to vector<16xi32>
      %lt3A_168 = arith.cmpi slt, %iota3A, %lt3A_167 : vector<16xi32>
      %and3A_169 = arith.andi %ge3A_166, %lt3A_168 : vector<16xi1>
      %add3A_170 = arith.constant 12 : i32
      %add3A_171 = vector.broadcast %add3A_170 : i32 to vector<16xi32>
      %add3A_172 = arith.addi %add3A_171, %iota3A : vector<16xi32>
      %jit3A = arith.constant 64 : i32
      %broadcast_in_dim3A_173 = vector.broadcast %jit3A : i32 to vector<16xi32>
      %select_n3A_174 = arith.select %and3A_169, %add3A_172, %broadcast_in_dim3A_173 : vector<16xi1>, vector<16xi32>
      %jit3A_175 = arith.constant 9 : i32
      %broadcast_in_dim3A_176 = vector.broadcast %jit3A_175 : i32 to vector<16xi32>
      %select_n3A_177 = arith.select %eq3A_164, %broadcast_in_dim3A_176, %select_n3A_174 : vector<16xi1>, vector<16xi32>
      %jit3A_178 = arith.constant 8 : i32
      %broadcast_in_dim3A_179 = vector.broadcast %jit3A_178 : i32 to vector<16xi32>
      %select_n3A_180 = arith.select %eq3A_161, %broadcast_in_dim3A_179, %select_n3A_177 : vector<16xi1>, vector<16xi32>
      %jit3A_181 = arith.constant 0 : i32
      %broadcast_in_dim3A_182 = vector.broadcast %jit3A_181 : i32 to vector<16xi32>
      %select_n3A_183 = arith.select %eq3A_158, %broadcast_in_dim3A_182, %select_n3A_180 : vector<16xi1>, vector<16xi32>
      %eq3A_184 = arith.constant 1 : i32
      %eq3A_185 = vector.broadcast %eq3A_184 : i32 to vector<16xi32>
      %eq3A_186 = arith.cmpi eq, %iota3A, %eq3A_185 : vector<16xi32>
      %eq3A_187 = arith.constant 2 : i32
      %eq3A_188 = vector.broadcast %eq3A_187 : i32 to vector<16xi32>
      %eq3A_189 = arith.cmpi eq, %iota3A, %eq3A_188 : vector<16xi32>
      %eq3A_190 = arith.constant 3 : i32
      %eq3A_191 = vector.broadcast %eq3A_190 : i32 to vector<16xi32>
      %eq3A_192 = arith.cmpi eq, %iota3A, %eq3A_191 : vector<16xi32>
      %ge3A_193 = arith.constant 4 : i32
      %ge3A_194 = vector.broadcast %ge3A_193 : i32 to vector<16xi32>
      %ge3A_195 = arith.cmpi sge, %iota3A, %ge3A_194 : vector<16xi32>
      %lt3A_196 = arith.constant 8 : i32
      %lt3A_197 = vector.broadcast %lt3A_196 : i32 to vector<16xi32>
      %lt3A_198 = arith.cmpi slt, %iota3A, %lt3A_197 : vector<16xi32>
      %and3A_199 = arith.andi %ge3A_195, %lt3A_198 : vector<16xi1>
      %add3A_200 = arith.constant 36 : i32
      %add3A_201 = vector.broadcast %add3A_200 : i32 to vector<16xi32>
      %add3A_202 = arith.addi %add3A_201, %iota3A : vector<16xi32>
      %jit3A_203 = arith.constant 64 : i32
      %broadcast_in_dim3A_204 = vector.broadcast %jit3A_203 : i32 to vector<16xi32>
      %select_n3A_205 = arith.select %and3A_199, %add3A_202, %broadcast_in_dim3A_204 : vector<16xi1>, vector<16xi32>
      %jit3A_206 = arith.constant 33 : i32
      %broadcast_in_dim3A_207 = vector.broadcast %jit3A_206 : i32 to vector<16xi32>
      %select_n3A_208 = arith.select %eq3A_192, %broadcast_in_dim3A_207, %select_n3A_205 : vector<16xi1>, vector<16xi32>
      %jit3A_209 = arith.constant 32 : i32
      %broadcast_in_dim3A_210 = vector.broadcast %jit3A_209 : i32 to vector<16xi32>
      %select_n3A_211 = arith.select %eq3A_189, %broadcast_in_dim3A_210, %select_n3A_208 : vector<16xi1>, vector<16xi32>
      %jit3A_212 = arith.constant 24 : i32
      %broadcast_in_dim3A_213 = vector.broadcast %jit3A_212 : i32 to vector<16xi32>
      %select_n3A_214 = arith.select %eq3A_186, %broadcast_in_dim3A_213, %select_n3A_211 : vector<16xi1>, vector<16xi32>
      %gather3A = tpu.vector_load_idx %arg23[%select_n3A_183] : memref<80xf32, #tpu.memory_space<vmem>>[vector<16xi32>], vector<16xf32>,
      %gather3A_215 = tpu.vector_load_idx %arg23[%select_n3A_214] : memref<80xf32, #tpu.memory_space<vmem>>[vector<16xi32>], vector<16xf32>,
      %add3A_216 = arith.addf %select_n3A_155, %gather3A_215 : vector<16xf32>
      %mul3A = arith.mulf %gather3A, %add3A_216 : vector<16xf32>
      %neg3A = arith.constant 0.000000e+00 : f32
      %neg3A_217 = vector.broadcast %neg3A : f32 to vector<16xf32>
      %neg3A_218 = arith.subf %neg3A_217, %mul3A : vector<16xf32>
      %exp3A = math.exp %neg3A_218 : vector<16xf32>
      %add3A_219 = arith.constant 1.000000e+00 : f32
      %add3A_220 = vector.broadcast %add3A_219 : f32 to vector<16xf32>
      %add3A_221 = arith.addf %add3A_220, %exp3A : vector<16xf32>
      %div3A = arith.constant 1.000000e+00 : f32
      %div3A_222 = vector.broadcast %div3A : f32 to vector<16xf32>
      %div3A_223 = arith.divf %div3A_222, %add3A_221 : vector<16xf32>
      %swap3A = arith.constant 0 : index
      %swap3A_224 = tpu.vector_load %arg22[%swap3A] {strides = array<i32>} : memref<16xf32, #tpu.memory_space<vmem>>, vector<16xf32>,
      tpu.vector_store %arg22[%swap3A], %div3A_223 {strides = array<i32>} : memref<16xf32, #tpu.memory_space<vmem>>, vector<16xf32>,
      %broadcast_in_dim3A_225 = arith.constant 1 : i32
      %broadcast_in_dim3A_226 = vector.broadcast %broadcast_in_dim3A_225 : i32 to vector<16xi32>
      %gather3A_227 = tpu.vector_load_idx %arg22[%broadcast_in_dim3A_226] : memref<16xf32, #tpu.memory_space<vmem>>[vector<16xi32>], vector<16xf32>,
      %lt3A_228 = arith.constant 4 : i32
      %lt3A_229 = vector.broadcast %lt3A_228 : i32 to vector<16xi32>
      %lt3A_230 = arith.cmpi slt, %iota3A, %lt3A_229 : vector<16xi32>
      %jit3A_231 = arith.constant 2 : i32
      %jit3A_232 = arith.constant 3 : i32
      %broadcast_in_dim3A_233 = vector.broadcast %jit3A_231 : i32 to vector<16xi32>
      %broadcast_in_dim3A_234 = vector.broadcast %jit3A_232 : i32 to vector<16xi32>
      %select_n3A_235 = arith.select %lt3A_230, %broadcast_in_dim3A_233, %broadcast_in_dim3A_234 : vector<16xi1>, vector<16xi32>
      %gather3A_236 = tpu.vector_load_idx %arg22[%select_n3A_235] : memref<16xf32, #tpu.memory_space<vmem>>[vector<16xi32>], vector<16xf32>,
      %jit3A_237 = arith.constant 2 : i32
      %div3A_238 = vector.broadcast %jit3A_237 : i32 to vector<16xi32>
      %div3A_239 = arith.divsi %iota3A, %div3A_238 : vector<16xi32>
      %sign3A = arith.constant 0 : i32
      %sign3A_240 = vector.broadcast %sign3A : i32 to vector<16xi32>
      %sign3A_241 = arith.cmpi sgt, %iota3A, %sign3A_240 : vector<16xi32>
      %sign3A_242 = arith.extui %sign3A_241 : vector<16xi1> to vector<16xi32>
      %sign3A_243 = arith.constant 0 : i32
      %sign3A_244 = vector.broadcast %sign3A_243 : i32 to vector<16xi32>
      %sign3A_245 = arith.cmpi slt, %iota3A, %sign3A_244 : vector<16xi32>
      %sign3A_246 = arith.extui %sign3A_245 : vector<16xi1> to vector<16xi32>
      %sign3A_247 = arith.subi %sign3A_242, %sign3A_246 : vector<16xi32>
      %sign3A_248 = arith.constant 0 : i32
      %sign3A_249 = arith.cmpi sgt, %jit3A_237, %sign3A_248 : i32
      %sign3A_250 = arith.extui %sign3A_249 : i1 to i32
      %sign3A_251 = arith.constant 0 : i32
      %sign3A_252 = arith.cmpi slt, %jit3A_237, %sign3A_251 : i32
      %sign3A_253 = arith.extui %sign3A_252 : i1 to i32
      %sign3A_254 = arith.subi %sign3A_250, %sign3A_253 : i32
      %ne3A = vector.broadcast %sign3A_254 : i32 to vector<16xi32>
      %ne3A_255 = arith.cmpi ne, %sign3A_247, %ne3A : vector<16xi32>
      %rem3A = vector.broadcast %jit3A_237 : i32 to vector<16xi32>
      %rem3A_256 = arith.remsi %iota3A, %rem3A : vector<16xi32>
      %ne3A_257 = arith.constant 0 : i32
      %ne3A_258 = vector.broadcast %ne3A_257 : i32 to vector<16xi32>
      %ne3A_259 = arith.cmpi ne, %rem3A_256, %ne3A_258 : vector<16xi32>
      %and3A_260 = arith.andi %ne3A_255, %ne3A_259 : vector<16xi1>
      %sub3A = arith.constant 1 : i32
      %sub3A_261 = vector.broadcast %sub3A : i32 to vector<16xi32>
      %sub3A_262 = arith.subi %div3A_239, %sub3A_261 : vector<16xi32>
      %select_n3A_263 = arith.select %and3A_260, %sub3A_262, %div3A_239 : vector<16xi1>, vector<16xi32>
      %add3A_264 = arith.constant 4 : i32
      %add3A_265 = vector.broadcast %add3A_264 : i32 to vector<16xi32>
      %add3A_266 = arith.addi %add3A_265, %select_n3A_263 : vector<16xi32>
      %gather3A_267 = tpu.vector_load_idx %arg22[%add3A_266] : memref<16xf32, #tpu.memory_space<vmem>>[vector<16xi32>], vector<16xf32>,
      %ge3A_268 = arith.constant 4 : i32
      %ge3A_269 = vector.broadcast %ge3A_268 : i32 to vector<16xi32>
      %ge3A_270 = arith.cmpi sge, %iota3A, %ge3A_269 : vector<16xi32>
      %sub3A_271 = arith.constant 1.000000e+00 : f32
      %sub3A_272 = vector.broadcast %sub3A_271 : f32 to vector<16xf32>
      %sub3A_273 = arith.subf %sub3A_272, %gather3A_227 : vector<16xf32>
      %select_n3A_274 = arith.select %ge3A_270, %gather3A_227, %sub3A_273 : vector<16xi1>, vector<16xf32>
      %jit3A_275 = arith.constant 2 : i32
      %div3A_276 = vector.broadcast %jit3A_275 : i32 to vector<16xi32>
      %div3A_277 = arith.divsi %iota3A, %div3A_276 : vector<16xi32>
      %sign3A_278 = arith.constant 0 : i32
      %sign3A_279 = vector.broadcast %sign3A_278 : i32 to vector<16xi32>
      %sign3A_280 = arith.cmpi sgt, %iota3A, %sign3A_279 : vector<16xi32>
      %sign3A_281 = arith.extui %sign3A_280 : vector<16xi1> to vector<16xi32>
      %sign3A_282 = arith.constant 0 : i32
      %sign3A_283 = vector.broadcast %sign3A_282 : i32 to vector<16xi32>
      %sign3A_284 = arith.cmpi slt, %iota3A, %sign3A_283 : vector<16xi32>
      %sign3A_285 = arith.extui %sign3A_284 : vector<16xi1> to vector<16xi32>
      %sign3A_286 = arith.subi %sign3A_281, %sign3A_285 : vector<16xi32>
      %sign3A_287 = arith.constant 0 : i32
      %sign3A_288 = arith.cmpi sgt, %jit3A_275, %sign3A_287 : i32
      %sign3A_289 = arith.extui %sign3A_288 : i1 to i32
      %sign3A_290 = arith.constant 0 : i32
      %sign3A_291 = arith.cmpi slt, %jit3A_275, %sign3A_290 : i32
      %sign3A_292 = arith.extui %sign3A_291 : i1 to i32
      %sign3A_293 = arith.subi %sign3A_289, %sign3A_292 : i32
      %ne3A_294 = vector.broadcast %sign3A_293 : i32 to vector<16xi32>
      %ne3A_295 = arith.cmpi ne, %sign3A_286, %ne3A_294 : vector<16xi32>
      %rem3A_296 = vector.broadcast %jit3A_275 : i32 to vector<16xi32>
      %rem3A_297 = arith.remsi %iota3A, %rem3A_296 : vector<16xi32>
      %ne3A_298 = arith.constant 0 : i32
      %ne3A_299 = vector.broadcast %ne3A_298 : i32 to vector<16xi32>
      %ne3A_300 = arith.cmpi ne, %rem3A_297, %ne3A_299 : vector<16xi32>
      %and3A_301 = arith.andi %ne3A_295, %ne3A_300 : vector<16xi1>
      %sub3A_302 = arith.constant 1 : i32
      %sub3A_303 = vector.broadcast %sub3A_302 : i32 to vector<16xi32>
      %sub3A_304 = arith.subi %div3A_277, %sub3A_303 : vector<16xi32>
      %select_n3A_305 = arith.select %and3A_301, %sub3A_304, %div3A_277 : vector<16xi1>, vector<16xi32>
      %jit3A_306 = arith.constant 2 : i32
      %eq3A_307 = arith.constant 0 : i32
      %eq3A_308 = arith.cmpi eq, %jit3A_306, %eq3A_307 : i32
      %jit3A_309 = arith.constant 1 : i32
      %select_n3A_310 = arith.select %eq3A_308, %jit3A_309, %jit3A_306 : i32
      %rem3A_311 = vector.broadcast %select_n3A_310 : i32 to vector<16xi32>
      %rem3A_312 = arith.remsi %select_n3A_305, %rem3A_311 : vector<16xi32>
      %ne3A_313 = arith.constant 0 : i32
      %ne3A_314 = vector.broadcast %ne3A_313 : i32 to vector<16xi32>
      %ne3A_315 = arith.cmpi ne, %rem3A_312, %ne3A_314 : vector<16xi32>
      %lt3A_316 = arith.constant 0 : i32
      %lt3A_317 = vector.broadcast %lt3A_316 : i32 to vector<16xi32>
      %lt3A_318 = arith.cmpi slt, %rem3A_312, %lt3A_317 : vector<16xi32>
      %lt3A_319 = arith.constant 0 : i32
      %lt3A_320 = arith.cmpi slt, %select_n3A_310, %lt3A_319 : i32
      %ne3A_321 = vector.broadcast %lt3A_320 : i1 to vector<16xi1>
      %ne3A_322 = vector.broadcast %ne3A_321 : vector<16xi1> to vector<16xi1>
      %ne3A_323 = arith.xori %lt3A_318, %ne3A_322 : vector<16xi1>
      %and3A_324 = arith.andi %ne3A_323, %ne3A_315 : vector<16xi1>
      %add3A_325 = vector.broadcast %select_n3A_310 : i32 to vector<16xi32>
      %add3A_326 = arith.addi %rem3A_312, %add3A_325 : vector<16xi32>
      %select_n3A_327 = arith.select %and3A_324, %add3A_326, %rem3A_312 : vector<16xi1>, vector<16xi32>
      %eq3A_328 = arith.constant 1 : i32
      %eq3A_329 = vector.broadcast %eq3A_328 : i32 to vector<16xi32>
      %eq3A_330 = arith.cmpi eq, %select_n3A_327, %eq3A_329 : vector<16xi32>
      %sub3A_331 = arith.constant 1.000000e+00 : f32
      %sub3A_332 = vector.broadcast %sub3A_331 : f32 to vector<16xf32>
      %sub3A_333 = arith.subf %sub3A_332, %gather3A_236 : vector<16xf32>
      %select_n3A_334 = arith.select %eq3A_330, %gather3A_236, %sub3A_333 : vector<16xi1>, vector<16xf32>
      %jit3A_335 = arith.constant 2 : i32
      %eq3A_336 = arith.constant 0 : i32
      %eq3A_337 = arith.cmpi eq, %jit3A_335, %eq3A_336 : i32
      %jit3A_338 = arith.constant 1 : i32
      %select_n3A_339 = arith.select %eq3A_337, %jit3A_338, %jit3A_335 : i32
      %rem3A_340 = vector.broadcast %select_n3A_339 : i32 to vector<16xi32>
      %rem3A_341 = arith.remsi %iota3A, %rem3A_340 : vector<16xi32>
      %ne3A_342 = arith.constant 0 : i32
      %ne3A_343 = vector.broadcast %ne3A_342 : i32 to vector<16xi32>
      %ne3A_344 = arith.cmpi ne, %rem3A_341, %ne3A_343 : vector<16xi32>
      %lt3A_345 = arith.constant 0 : i32
      %lt3A_346 = vector.broadcast %lt3A_345 : i32 to vector<16xi32>
      %lt3A_347 = arith.cmpi slt, %rem3A_341, %lt3A_346 : vector<16xi32>
      %lt3A_348 = arith.constant 0 : i32
      %lt3A_349 = arith.cmpi slt, %select_n3A_339, %lt3A_348 : i32
      %ne3A_350 = vector.broadcast %lt3A_349 : i1 to vector<16xi1>
      %ne3A_351 = vector.broadcast %ne3A_350 : vector<16xi1> to vector<16xi1>
      %ne3A_352 = arith.xori %lt3A_347, %ne3A_351 : vector<16xi1>
      %and3A_353 = arith.andi %ne3A_352, %ne3A_344 : vector<16xi1>
      %add3A_354 = vector.broadcast %select_n3A_339 : i32 to vector<16xi32>
      %add3A_355 = arith.addi %rem3A_341, %add3A_354 : vector<16xi32>
      %select_n3A_356 = arith.select %and3A_353, %add3A_355, %rem3A_341 : vector<16xi1>, vector<16xi32>
      %eq3A_357 = arith.constant 1 : i32
      %eq3A_358 = vector.broadcast %eq3A_357 : i32 to vector<16xi32>
      %eq3A_359 = arith.cmpi eq, %select_n3A_356, %eq3A_358 : vector<16xi32>
      %sub3A_360 = arith.constant 1.000000e+00 : f32
      %sub3A_361 = vector.broadcast %sub3A_360 : f32 to vector<16xf32>
      %sub3A_362 = arith.subf %sub3A_361, %gather3A_267 : vector<16xf32>
      %select_n3A_363 = arith.select %eq3A_359, %gather3A_267, %sub3A_362 : vector<16xi1>, vector<16xf32>
      %lt3A_364 = arith.constant 8 : i32
      %lt3A_365 = vector.broadcast %lt3A_364 : i32 to vector<16xi32>
      %lt3A_366 = arith.cmpi slt, %iota3A, %lt3A_365 : vector<16xi32>
      %add3A_367 = arith.constant 48 : i32
      %add3A_368 = vector.broadcast %add3A_367 : i32 to vector<16xi32>
      %add3A_369 = arith.addi %add3A_368, %iota3A : vector<16xi32>
      %jit3A_370 = arith.constant 64 : i32
      %broadcast_in_dim3A_371 = vector.broadcast %jit3A_370 : i32 to vector<16xi32>
      %select_n3A_372 = arith.select %lt3A_366, %add3A_369, %broadcast_in_dim3A_371 : vector<16xi1>, vector<16xi32>
      %gather3A_373 = tpu.vector_load_idx %arg23[%select_n3A_372] : memref<80xf32, #tpu.memory_space<vmem>>[vector<16xi32>], vector<16xf32>,
      %mul3A_374 = arith.mulf %select_n3A_274, %select_n3A_334 : vector<16xf32>
      %mul3A_375 = arith.mulf %mul3A_374, %select_n3A_363 : vector<16xf32>
      %mul3A_376 = arith.mulf %gather3A_373, %mul3A_375 : vector<16xf32>
      %swap3A_377 = arith.constant 0 : index
      %swap3A_378 = tpu.vector_load %arg24[%swap3A_377] {strides = array<i32>} : memref<16xf32, #tpu.memory_space<vmem>>, vector<16xf32>,
      tpu.vector_store %arg24[%swap3A_377], %mul3A_376 {strides = array<i32>} : memref<16xf32, #tpu.memory_space<vmem>>, vector<16xf32>,
      "tpu.region"() ({
        %run_scoped3A = tpu.sem_alloc : memref<!tpu.dma_semaphore, #tpu.memory_space<semaphore_mem>>
        %dma_start3A = arith.constant 0 : i32
        %dma_start3A_379 = tpu.memref_slice %arg24[%dma_start3A] : memref<16xf32, #tpu.memory_space<vmem>> -> memref<8xf32, #tpu.memory_space<vmem>>
        %dma_start3A_380 = arith.constant 0 : i32
        %dma_start3A_381 = tpu.memref_slice %arg24[%dma_start3A_380] : memref<16xf32, #tpu.memory_space<vmem>> -> memref<8xf32, #tpu.memory_space<vmem>>
        tpu.enqueue_dma source(%dma_start3A_381 : memref<8xf32, #tpu.memory_space<vmem>>) target(%arg13 : memref<8xf32, #tpu.memory_space<hbm>>) target_semaphore(%run_scoped3A : memref<!tpu.dma_semaphore, #tpu.memory_space<semaphore_mem>>)
        %dma_wait3A_382 = arith.constant 0 : i32
        %dma_wait3A_383 = tpu.memref_slice %arg24[%dma_wait3A_382] : memref<16xf32, #tpu.memory_space<vmem>> -> memref<8xf32, #tpu.memory_space<vmem>>
        %dma_wait3A_384 = arith.constant 0 : i32
        %dma_wait3A_385 = tpu.memref_slice %arg24[%dma_wait3A_384] : memref<16xf32, #tpu.memory_space<vmem>> -> memref<8xf32, #tpu.memory_space<vmem>>
        tpu.wait_dma2 semaphore(%run_scoped3A : memref<!tpu.dma_semaphore, #tpu.memory_space<semaphore_mem>>) src(%dma_wait3A_385 : memref<8xf32, #tpu.memory_space<vmem>>) dst(%arg13 : memref<8xf32, #tpu.memory_space<hbm>>)
        tpu.yield
      }) : () -> ()
    } else {
    }
    return
  }
}

</mosaic_0001>

<sc_bundles>
// kernel: _ddt_sc.3.cloned.1.call-start
scs
__scs_entry_jumppad:
0x0: {  	(pc) =	sbr.rel $0x88, $3  }
0x1: {  	(tag) =	ssettag $0x0;
	lr =	simm.s32 $0x1  }
0x2: {  	[smem:$0x3F96] =	sst lr;
	_ =	strace $0xD0000000  }
0x3: {  	_ = 	snop  }
0x4: {  	_ = 	snop  }
0x5: {  	_ = 	snop  }
0x6: {  	_ = 	snop  }
0x7: {  	_ = 	snop  }
__scs_overlays_trampoline_lowered:
0x8: {  	[smem:$0x3FA5] =	sst s0  }
0x9: {  	[smem:$0x3FA6] =	sst s1  }
0xa: {  	[smem:$0x3FA7] =	sst s2  }
0xb: {  	[smem:$0x3FA8] =	sst s3  }
0xc: {  	[smem:$0x3FA9] =	sst s4  }
0xd: {  	[smem:$0x3FAA] =	sst s5  }
0xe: {  	[smem:$0x3FAB] =	sst s6  }
0xf: {  	[smem:$0x3FAC] =	sst s7  }
0x10: {  	[smem:$0x3FAD] =	sst s8  }
0x11: {  	[smem:$0x3FAE] =	sst s9;
	s0 =	simm.s32 @!p0 $0x0  }
0x12: {  	s1 =	sld [smem:$0x3F94];
	s0 =	simm.s32 @p0 $0x1  }
0x13: {  	[smem:$0x3FAF] =	sst s0;
	s0 =	simm.s32 @!p1 $0x0  }
0x14: {  	s2 =	sld [smem:$0x3F93];
	s0 =	simm.s32 @p1 $0x1  }
0x15: {  	[smem:$0x3FB0] =	sst s0;
	s0 =	simm.s32 @!p2 $0x0  }
0x16: {  	s3 =	sld [smem:$0x3FDB];
	s0 =	simm.s32 @p2 $0x1  }
0x17: {  	s4 =	simm.s32 $0x1BF5;
	[smem:$0x3FB2] =	sst s0  }
0x18: {  	s0 =	sld [smem:$0x3F95];
	_ =	swait.ge [sflag:s4], $0x0  }
0x19: {  	s7 =	sld [smem:$0x3F96]  }
0x1a: {  	s8 =	sadd.s32 $0xFFFFE003, lr  }
0x1b: {  	s9 =	sadd.s32 $0xFFFFFEF7, lr;
	s5 =	simm.s32 $0xFFFFFFFF;
	p2 =	slt.u32 s8, $0xFFFFF086  }
0x1c: {  	p1 =	slt.u32 s9, $0xF7A;
	s5 =	simm.s32 @!p2 $0x0  }
0x1d: {  	s5 =	simm.s32 @p1 $0x1;
	p0 =	seq.s32 s7, s2  }
0x1e: {  	s7 =	smul.u32 @!p0 $0xF7A, s2;
	p2 =	seq.s32 @!p0 s5, $0x0  }
0x1f: {  	s9 =	smul.u32 $0xF7A, s1;
	s8 =	simm.s32 @!p0 $0x1BF5;
	p2 =	por !p2, p0  }
0x20: {  	[sflag:s8] =	ssyncset.s32 @!p0 $0xFFFFF086;
	s6 =	sadd.s32 @!p0 s3, s7;
	s7 =	simm.s32 @!p0 $0x108  }
0x21: {  	s3 =	sadd.s32 s3, s9;
	s6 =	sadd.s32 @!p0 $0x88, s6;
	s7 =	simm.s32 @p2 $0x1082  }
0x22: {  	[simem:s7], [sflag:s8] =	dma.local @!p0 [hbm:s6], $0xF7A  }
0x23: {  	s9 =	sor.u32 $0xD0000000, s2;
	s6 =	simm.s32 $0x108;
	_ =	swait.ge @!p0 [sflag:s8], $0x0  }
0x24: {  	s3 =	sadd.s32 $0x88, s3;
	s6 =	simm.s32 @!p1 $0x1082;
	[sflag:s4] =	ssyncset.s32 $0xFFFFF086  }
0x25: {  	[simem:s6], [sflag:s4] =	dma.local [hbm:s3], $0xF7A  }
0x26: {  	[smem:$0x3F96] =	sst s1;
	(tag) =	ssettag s2;
	_ =	strace s9  }
0x27: {  	s1 =	sld [smem:$0x3FA6]  }
0x28: {  	s2 =	sld [smem:$0x3FA7]  }
0x29: {  	s4 =	sld [smem:$0x3FA9]  }
0x2a: {  	p0 =	seq.s32 s5, $0x0;
	s5 =	sld [smem:$0x3FAA]  }
0x2b: {  	s6 =	sld [smem:$0x3FAB]  }
0x2c: {  	s7 =	sld [smem:$0x3FAC]  }
0x2d: {  	s3 =	simm.s32 $0x108;
	s8 =	sld [smem:$0x3FAD]  }
0x2e: {  	s3 =	simm.s32 @!p0 $0x1082;
	s9 =	sld [smem:$0x3FAE]  }
0x2f: {  	lr =	sadd.s32 s0, s3;
	s0 =	sld [smem:$0x3FA5]  }
0x30: {  	s3 =	sld [smem:$0x3FA8]  }
0x31: {  	[smem:$0x3FB1] =	sst s10  }
0x32: {  	s10 =	sld [smem:$0x3FAF];
	_ =	sdelay $0x3  }
0x33: {  	p0 =	seq.s32 s10, $0x1;
	s10 =	sld [smem:$0x3FB1];
	_ =	sdelay $0x3  }
0x34: {  	[smem:$0x3FB1] =	sst s10  }
0x35: {  	s10 =	sld [smem:$0x3FB0];
	_ =	sdelay $0x3  }
0x36: {  	p1 =	seq.s32 s10, $0x1;
	s10 =	sld [smem:$0x3FB1];
	_ =	sdelay $0x3  }
0x37: {  	[smem:$0x3FB1] =	sst s10  }
0x38: {  	s10 =	sld [smem:$0x3FB2]  }
0x39: {  	_ = 	snop;
	(pc) =	sbr.ind lr, $3  }
0x3a: {  	_ = 	snop  }
0x3b: {  	_ = 	snop  }
0x3c: {  	p2 =	seq.s32 s10, $0x1;
	s10 =	sld [smem:$0x3FB1]  }
0x3d: {  	_ =	shalt  }
0x3e: {  	_ =	shalt  }
0x3f: {  	_ =	shalt  }
0x40: {  	_ =	shalt  }
0x41: {  	_ =	shalt  }
0x42: {  	_ =	shalt  }
0x43: {  	_ =	shalt  }
0x44: {  	_ =	shalt  }
0x45: {  	_ =	shalt  }
0x46: {  	_ =	shalt  }
0x47: {  	_ =	shalt  }
0x48: {  	_ =	shalt  }
0x49: {  	_ =	shalt  }
0x4a: {  	_ =	shalt  }
0x4b: {  	_ =	shalt  }
0x4c: {  	_ =	shalt  }
0x4d: {  	_ =	shalt  }
0x4e: {  	_ =	shalt  }
0x4f: {  	_ =	shalt  }
0x50: {  	_ =	shalt  }
0x51: {  	_ =	shalt  }
0x52: {  	_ =	shalt  }
0x53: {  	_ =	shalt  }
0x54: {  	_ =	shalt  }
0x55: {  	_ =	shalt  }
0x56: {  	_ =	shalt  }
0x57: {  	_ =	shalt  }
0x58: {  	_ =	shalt  }
0x59: {  	_ =	shalt  }
0x5a: {  	_ =	shalt  }
0x5b: {  	_ =	shalt  }
0x5c: {  	_ =	shalt  }
0x5d: {  	_ =	shalt  }
0x5e: {  	_ =	shalt  }
0x5f: {  	_ =	shalt  }
0x60: {  	_ =	shalt  }
0x61: {  	_ =	shalt  }
0x62: {  	_ =	shalt  }
0x63: {  	_ =	shalt  }
0x64: {  	_ =	shalt  }
0x65: {  	_ =	shalt  }
0x66: {  	_ =	shalt  }
0x67: {  	_ =	shalt  }
0x68: {  	_ =	shalt  }
0x69: {  	_ =	shalt  }
0x6a: {  	_ =	shalt  }
0x6b: {  	_ =	shalt  }
0x6c: {  	_ =	shalt  }
0x6d: {  	_ =	shalt  }
0x6e: {  	_ =	shalt  }
0x6f: {  	_ =	shalt  }
0x70: {  	_ =	shalt  }
0x71: {  	_ =	shalt  }
0x72: {  	_ =	shalt  }
0x73: {  	_ =	shalt  }
0x74: {  	_ =	shalt  }
0x75: {  	_ =	shalt  }
0x76: {  	_ =	shalt  }
0x77: {  	_ =	shalt  }
0x78: {  	_ =	shalt  }
0x79: {  	_ =	shalt  }
0x7a: {  	_ =	shalt  }
0x7b: {  	_ =	shalt  }
0x7c: {  	_ =	shalt  }
0x7d: {  	_ =	shalt  }
0x7e: {  	_ =	shalt  }
0x7f: {  	_ =	shalt  }
0x80: {  	_ =	shalt  }
0x81: {  	_ =	shalt  }
0x82: {  	_ =	shalt  }
0x83: {  	_ =	shalt  }
0x84: {  	_ =	shalt  }
0x85: {  	_ =	shalt  }
0x86: {  	_ =	shalt  }
0x87: {  	_ =	shalt  }
.Lfunc_end0:
.L_simem_size_0:
called_computation_lowered:
.L_overlay_start_0:
0x88: {  	s0 =	sld [smem:$0x3FD9]  }
0x89: {  	s1 =	sld [smem:$0x3FFE];
	_ =	sdelay $0x3  }
0x8a: {  	s0 =	sadd.s32 s1, s0  }
0x8b: {  	[smem:$0x3FBD] =	sst s0  }
0x8c: {  	_ = 	snop  }
0x8d: {  	s17 =	sld [smem:$0x3FC9]  }
0x8e: {  	s2 =	sld [smem:$0x3FC8]  }
0x8f: {  	s3 =	sld [smem:$0x3FC7]  }
0x90: {  	s4 =	sld [smem:$0x3FC6]  }
0x91: {  	s5 =	sld [smem:$0x3FC5]  }
0x92: {  	s6 =	sld [smem:$0x3FC4]  }
0x93: {  	s7 =	sld [smem:$0x3FC3]  }
0x94: {  	s8 =	sld [smem:$0x3FC2]  }
0x95: {  	s9 =	sld [smem:$0x3FC1]  }
0x96: {  	s10 =	sld [smem:$0x3FC0]  }
0x97: {  	s11 =	sld [smem:$0x3FBF]  }
0x98: {  	s12 =	sld [smem:$0x3FD0];
	(tm) =	ssettm $0x1  }
0x99: {  	s18 =	sld [smem:$0x3FFB];
	_ =	sdelay $0x3  }
0x9a: {  	_ =	strace s18  }
0x9b: {  	s0 =	sld [smem:$0x3FFC];
	_ =	sdelay $0x3  }
0x9c: {  	_ =	strace s0  }
0x9d: {  	s0 =	sld [smem:$0x3FFD];
	_ =	sdelay $0x3  }
0x9e: {  	_ =	strace s0  }
0x9f: {  	_ =	strace $0x8FFFFFFF  }
0xa0: {  	s19 =	sld [smem:$0x3FDB];
	_ =	sdelay $0x1  }
0xa1: {  	s13 =	simm.s32 $_scs_section_size  }
0xa2: {  	s14 =	simm.s32 $_size__tile_overlayer_lowered;
	s15 =	simm.s32 $_tile_overlayer_lowered  }
0xa3: {  	s16 =	simm.s32 $0x1BFF;
	s20 =	sshll.u32 s15, $0x1;
	s13 =	sadd.s32 s13, s19  }
0xa4: {  	s21 =	simm.s32 $0x0;
	s14 =	sshll.u32 s14, $0x1;
	s15 =	sadd.s32 s20, s13  }
0xa5: {  	[timem:s21], [sflag:s16] =	dma.local [hbm:s15], s14  }
0xa6: {  	_ =	swait.ge [sflag:s16], s14  }
0xa7: {  	s14 =	ssub.s32 $0x0, s14;
	[sflag:s16] =	ssyncset.done $0x0  }
0xa8: {  	[sflag:s16] =	ssyncadd.s32 s14;
	_ =	sdelay $0x1  }
0xa9: {  	s22 =	simm.s32 $0x1B8B  }
0xaa: {  	_ =	swait.ge [sflag:s22], $0x1  }
0xab: {  	[sflag:s22] =	ssyncset.done $0x0  }
0xac: {  	s23 =	simm.s32 $0x1B8E;
	[sflag:s22] =	ssyncadd.s32 $0xFFFFFFFF  }
0xad: {  	s24 =	simm.s32 $execute0_lowered;
	[smem:$0x3FD2] =	sst s23  }
0xae: {  	s14 =	sshll.u32 s24, $0x1;
	_ =	strace $0x80000046;
	[dreg:$0x1] =	wrdreg $0xFFFFFFFF  }
0xaf: {  	s25 =	simm.s32 $_size_execute0_lowered;
	s13 =	sadd.s32 s13, s14;
	[dreg:$0x0] =	wrdreg $0x0  }
0xb0: {  	s14 =	sshll.u32 s25, $0x1;
	[dreg:$0x2] =	wrdreg s13  }
0xb1: {  	[dreg:$0x3] =	wrdreg s14  }
0xb2: {  	[dreg:$0x4] =	wrdreg $0xC0  }
0xb3: {  	_ =	task [dreg:s21], $0x5FFFF  }
0xb4: {  	[dreg:$0x1] =	wrdreg $0xFFFFFFFF  }
0xb5: {  	[dreg:$0x0] =	wrdreg $0x60  }
0xb6: {  	[dreg:$0x2] =	wrdreg s17  }
0xb7: {  	[dreg:$0x3] =	wrdreg s2  }
0xb8: {  	[dreg:$0x4] =	wrdreg s3  }
0xb9: {  	[dreg:$0x5] =	wrdreg s4  }
0xba: {  	[dreg:$0x6] =	wrdreg s5  }
0xbb: {  	[dreg:$0x7] =	wrdreg s6  }
0xbc: {  	[dreg:$0x8] =	wrdreg s7  }
0xbd: {  	[dreg:$0x9] =	wrdreg s8  }
0xbe: {  	[dreg:$0xa] =	wrdreg s9  }
0xbf: {  	[dreg:$0xb] =	wrdreg s10  }
0xc0: {  	[dreg:$0xc] =	wrdreg s11  }
0xc1: {  	[dreg:$0xd] =	wrdreg s12  }
0xc2: {  	[dreg:$0xe] =	wrdreg $0x20800  }
0xc3: {  	[dreg:$0xf] =	wrdreg $0x9  }
0xc4: {  	_ =	task.clear_ibuf [dreg:s21], $0x10FFFF;
	_ =	strace $0x90000046  }
0xc5: {  	s26 =	simm.s32 $0x9;
	_ =	strace $0x80000048  }
0xc6: {  	_ =	swait.ge [sflag:s26], $0x1  }
0xc7: {  	[sflag:s26] =	ssyncadd.s32 $0xFFFFFFFF  }
0xc8: {  	_ =	strace $0x90000048  }
0xc9: {  	_ =	sfence  }
0xca: {  	s28 =	sld [smem:$0x0];
	_ =	sdelay $0x1  }
0xcb: {  	s29 =	srdreg.scid  }
0xcc: {  	s30 =	sshll.u32 s29, $0xD;
	s31 =	sshrl.u32 s29, $0x2  }
0xcd: {  	s2 =	sand.u32 $0x1, s29;
	s3 =	sand.u32 $0x4000, s30;
	s1 =	sadd.s32 s31, s28  }
0xce: {  	s2 =	sor.u32 s3, s2;
	s1 =	sshll.u32 s1, $0x11  }
0xcf: {  	s1 =	sor.u32 s1, s2  }
0xd0: {  	s1 =	sadd.s32 $0x8F2B, s1  }
0xd1: {  	[sflag:s1] =	ssyncadd.remote.s32 $0x1  }
0xd2: {  	_ =	sfence.sel $0xFFFF  }
0xd3: {  	[dreg:$0x0] =	wrdreg $0xFFFFFFFF;
	(pc) =	sbr.abs _section_cstart, $3  }
0xd4: {  	[dreg:$0x1] =	wrdreg $0xFFFFFFFF  }
0xd5: {  	_ =	task.clear_ibuf [dreg:s21], $0x2FFFF;
	_ =	strace $0x9FFFFFFF  }
0xd6: {  	(tm) =	ssettm $0x7FFFFFFF  }
0xd7: {  	_ =	shalt  }
tec
execute0_lowered:
.L_overlay_start_1:
0x0: {  	(tag) =	ssettag $0x1  }
0x1: {  	s6 =	rddreg [dreg:$0x0]  }
0x2: {  	s7 =	rddreg [dreg:$0x1]  }
0x3: {  	s5 =	rddreg [dreg:$0x2]  }
0x4: {  	s3 =	rddreg [dreg:$0x3]  }
0x5: {  	s14 =	rddreg [dreg:$0x4]  }
0x6: {  	s9 =	rddreg [dreg:$0x5]  }
0x7: {  	s15 =	rddreg [dreg:$0x6];
	s4 =	stileid.u32  }
0x8: {  	s10 =	rddreg [dreg:$0x7];
	s11 =	sshll.u32 s4, $0x1  }
0x9: {  	s16 =	rddreg [dreg:$0x8];
	s0 =	smax.u32 s11, $0x9  }
0xa: {  	s12 =	rddreg [dreg:$0x9];
	s29 =	smax.u32 s11, $0x13;
	s8 =	sadd.s32 $0xFFFFFFF7, s0  }
0xb: {  	s13 =	rddreg [dreg:$0xa];
	s18 =	sadd.s32 $0xFFFFFFED, s29;
	s17 =	smul.u32 $0x34, s8  }
0xc: {  	s1 =	rddreg [dreg:$0xb];
	s19 =	smul.u32 $0x56, s18  }
0xd: {  	s2 =	rddreg [dreg:$0xc];
	s20 =	sshrl.u32 s17, $0x8  }
0xe: {  	p1 =	slt.u32 s4, $0x7;
	s19 =	sshrl.u32 s19, $0x8;
	s21 =	smul.u32 $0xFFFFFFFB, s20  }
0xf: {  	s0 =	rddreg [dreg:$0xd];
	s17 =	simm.s32 $0x0;
	s22 =	smul.u32 $0xFFFFFFFD, s19  }
0x10: {  	[smem:$0x7FF] =	sst s17;
	s23 =	sshll.u32 s19, $0x1;
	s20 =	smul.u32 $0x2800, s20  }
0x11: {  	s19 =	smul.u32 $0x1800, s19;
	_ =	strace $0x80000047;
	s21 =	sadd.s32 s8, s21  }
0x12: {  	s8 =	sshllo.u32 s4, $0x1;
	s18 =	sadd.s32 s18, s22;
	p0 =	seq.s32 s21, $0x0  }
0x13: {  	s22 =	sadd.s32 $0x4, s21;
	p2 =	seq.s32 s18, $0x0;
	s23 =	sadd.s32 s23, s18  }
0x14: {  	s18 =	sshll.u32 s18, $0xB;
	s22 =	smov.u32 @p1 s21;
	p1 =	slt.u32 s4, $0xA  }
0x15: {  	s23 =	simm.s32 @p2 $0x0;
	s22 =	simm.s32 @p0 $0x0;
	p0 =	sne.s32 s4, $0x0  }
.Ltmp0:
0x16: {  	p2 =	slt.u32 s4, $0x5;
	s23 =	smov.u32 @p1 s22;
	(pc) =	sbr.rel @!p0 .LBB2_1-.Ltmp0, $4  }
0x17: {  	s21 =	sshll.u32 s21, $0xB;
	s18 =	sadd.s32 s19, s18;
	s23 =	smov.u32 @p2 s11  }
0x18: {  	s20 =	sadd.s32 s20, s21;
	s18 =	sshrl.u32 s18, $0x3;
	s30 =	sshll.u32 s23, $0x8  }
0x19: {  	s31 =	sshrl.u32 s20, $0x3;
	s20 =	sadd.s32 $0xFFFFFFF6, s11;
	s22 =	sand.u32 $0x1FFFFF00, s30  }
0x1a: {  	s18 =	sadd.s32 s3, s18;
	s19 =	sadd.s32 s5, s31;
	s21 =	sadd.s32 s6, s22  }
0x1b: {  	p3 =	sgt.u32 s4, $0x4  }
.Ltmp1:
0x1c: {  	_ = 	snop;
	(pc) =	sbr.rel @p3 .LBB2_4-.Ltmp1, $4  }
.Ltmp2:
0x1d: {  	_ = 	snop;
	(pc) =	sbr.rel @!p3 .LBB2_3-.Ltmp2, $4  }
0x1e: {  	_ = 	snop  }
0x1f: {  	_ = 	snop  }
0x20: {  	[tilespmem:s17], [sflag:$0x1] =	stream.linear.gather [hbm4b:s21+s17], $0x800, $0x38;
	[tilespmem:$0x24A0] =	vst v63  }
0x21: {  	_ = 	snop  }
.LBB2_1:
0x22: {  	v0 =	vimm.f32 $0.0e+00  }
0x23: {  	s22 =	simm.s32 $0x23A0;
	[tilespmem:$0x23E0] =	vst v0  }
0x24: {  	[tilespmem:s22], [sflag:$0x3] =	stream.linear.gather [hbm4b:s14+s17], $0x1, $0x38;
	[tilespmem:$0x24A0] =	vst v63  }
0x25: {  	s25 =	simm.s32 $0x23A8  }
0x26: {  	[tilespmem:s25], [sflag:$0x3] =	stream.linear.gather [hbm4b:s15+s17], $0x2, $0x38;
	[tilespmem:$0x24A0] =	vst v63  }
0x27: {  	s26 =	simm.s32 $0x23B0  }
0x28: {  	[tilespmem:s26], [sflag:$0x3] =	stream.linear.gather [hbm4b:s16+s17], $0x4, $0x38;
	[tilespmem:$0x24A0] =	vst v63  }
0x29: {  	s28 =	simm.s32 $0x23B8  }
0x2a: {  	[tilespmem:s28], [sflag:$0x3] =	stream.linear.gather [hbm4b:s9+s17], $0x1, $0x38;
	[tilespmem:$0x24A0] =	vst v63  }
0x2b: {  	s29 =	simm.s32 $0x23C0  }
0x2c: {  	[tilespmem:s29], [sflag:$0x3] =	stream.linear.gather [hbm4b:s10+s17], $0x2, $0x38;
	[tilespmem:$0x24A0] =	vst v63  }
0x2d: {  	s30 =	simm.s32 $0x23C8  }
0x2e: {  	[tilespmem:s30], [sflag:$0x3] =	stream.linear.gather [hbm4b:s12+s17], $0x4, $0x38;
	[tilespmem:$0x24A0] =	vst v63  }
0x2f: {  	s31 =	simm.s32 $0x23D0  }
0x30: {  	[tilespmem:s31], [sflag:$0x3] =	stream.linear.gather [hbm4b:s13+s17], $0x8, $0x38;
	[tilespmem:$0x24A0] =	vst v63  }
0x31: {  	_ = 	snop  }
0x32: {  	[tilespmem:s17], [sflag:$0x1] =	stream.linear.gather [hbm4b:s21+s17], $0x800, $0x38;
	[tilespmem:$0x24A0] =	vst v63  }
.LBB2_3:
0x33: {  	s9 =	sshll.u32 s4, $0x9  }
0x34: {  	s10 =	simm.s32 $0x0;
	s12 =	simm.s32 $0x1000;
	s9 =	sadd.s32 s7, s9  }
0x35: {  	[tilespmem:s12], [sflag:$0x1] =	stream.linear.gather [hbm4b:s9+s10], $0x800, $0x38;
	[tilespmem:$0x24A0] =	vst v63  }
.LBB2_4:
0x36: {  	p3 =	sgt.u32 s20, $0x9  }
0x37: {  	s9 =	simm.s32 @!p3 $0x0;
	s10 =	simm.s32 @!p3 $0x1000  }
0x38: {  	[tilespmem:s10], [sflag:$0x1] =	stream.linear.gather @!p3 [hbm4b:s19+s9], $0x800, $0x38;
	[tilespmem:$0x24A0] =	vst v63  }
0x39: {  	p3 =	seq.s32 @!p1 s4, $0xF  }
0x3a: {  	p3 =	por p1, !p3  }
.Ltmp3:
0x3b: {  	_ = 	snop;
	(pc) =	sbr.rel @!p3 .LBB2_6-.Ltmp3, $4  }
0x3c: {  	_ = 	snop  }
0x3d: {  	s9 =	simm.s32 @!p1 $0x0;
	s10 =	simm.s32 @!p1 $0x1000  }
0x3e: {  	[tilespmem:s10], [sflag:$0x1] =	stream.linear.gather @!p1 [hbm4b:s18+s9], $0x800, $0x38;
	[tilespmem:$0x24A0] =	vst v63  }
0x3f: {  	s9 =	sshll.u32 s4, $0x5;
	s10 =	sshll.u32 s8, $0x4  }
0x40: {  	s12 =	smax.u32 s11, $0x8  }
0x41: {  	s21 =	smax.u32 s11, $0x12;
	s12 =	sadd.s32 $0xFFFFFFF8, s12  }
0x42: {  	s11 =	sadd.s32 $0xFFFFFFEE, s21;
	s13 =	smul.u32 $0xFFFFFFCD, s12  }
0x43: {  	s15 =	simm.s32 $0x1;
	s14 =	smul.u32 $0xFFFFFFAB, s11  }
0x44: {  	p6 =	sgt.u32 s4, $0x3;
	s28 =	sshll.u32 s8, $0x8;
	s13 =	sand.u32 $0xFE, s13  }
0x45: {  	s23 =	smul.u32 $0x34, s12;
	s22 =	sand.u32 $0xFE, s14;
	p3 =	sgt.u32 s13, $0x33  }
0x46: {  	s16 =	smul.u32 $0x56, s11;
	p5 =	sgt.u32 s22, $0x55;
	p2 =	por !p2, !p3  }
0x47: {  	s14 =	simm.s32 $0x1;
	p1 =	por !p1, !p5;
	p2 =	por !p2, !p2  }
0x48: {  	s13 =	sshrl.u32 s23, $0x8;
	p1 =	por !p1, !p1;
	s15 =	simm.s32 @!p2 $0x0  }
0x49: {  	s24 =	sshrl.u32 s16, $0x8;
	s14 =	simm.s32 @!p1 $0x0;
	s13 =	ssub.s32 s13, s15  }
0x4a: {  	s29 =	simm.s32 $0x0;
	s14 =	ssub.s32 s24, s14;
	s25 =	smul.u32 $0xFFFFFFFB, s13  }
0x4b: {  	s30 =	simm.s32 $0x800;
	s7 =	sadd.s32 s7, s28;
	s15 =	smul.u32 $0xFFFFFFFD, s14  }
0x4c: {  	p1 =	seq.s32 s13, $0x0;
	s17 =	sshll.u32 s14, $0x1;
	s16 =	sadd.s32 s12, s25  }
0x4d: {  	s11 =	sadd.s32 s11, s15;
	s15 =	sadd.s32 $0x4, s16;
	p2 =	seq.s32 s16, $0x0  }
0x4e: {  	p3 =	seq.s32 s11, $0x0;
	s15 =	smov.u32 @p1 s12;
	s12 =	sadd.s32 s17, s11  }
0x4f: {  	p1 =	slt.u32 s8, $0x13;
	s15 =	simm.s32 @p2 $0x0;
	s12 =	simm.s32 @p3 $0x0  }
0x50: {  	s13 =	smul.u32 $0x2800, s13;
	p2 =	slt.u32 s8, $0x9;
	s12 =	smov.u32 @p1 s15  }
0x51: {  	s14 =	smul.u32 $0x1800, s14;
	s26 =	sshll.u32 s16, $0xB;
	s12 =	smov.u32 @p2 s8  }
0x52: {  	s11 =	sshll.u32 s11, $0xB;
	s13 =	sadd.s32 s13, s26;
	s12 =	sshll.u32 s12, $0x8  }
0x53: {  	s11 =	sadd.s32 s14, s11;
	s13 =	sshrl.u32 s13, $0x3;
	s12 =	sand.u32 $0x1FFFFF00, s12  }
0x54: {  	p1 =	por !p6, !p1;
	p2 =	sgt.u32 s8, $0x8;
	s6 =	sadd.s32 s6, s12  }
0x55: {  	[tilespmem:s30], [sflag:$0x2] =	stream.linear.gather [hbm4b:s6+s29], $0x800, $0x38;
	[tilespmem:$0x24A0] =	vst v63  }
0x56: {  	p1 =	por !p1, !p1;
	s8 =	simm.s32 @!p2 $0x1800;
	s6 =	simm.s32 @!p2 $0x0  }
0x57: {  	[tilespmem:s8], [sflag:$0x2] =	stream.linear.gather @!p2 [hbm4b:s7+s6], $0x800, $0x38;
	[tilespmem:$0x24A0] =	vst v63  }
0x58: {  	s5 =	sadd.s32 s5, s13;
	s6 =	simm.s32 @p1 $0x0;
	s7 =	simm.s32 @p1 $0x1800  }
0x59: {  	[tilespmem:s7], [sflag:$0x2] =	stream.linear.gather @p1 [hbm4b:s5+s6], $0x800, $0x38;
	[tilespmem:$0x24A0] =	vst v63  }
0x5a: {  	s31 =	sshrl.u32 s11, $0x3;
	p1 =	slt.u32 s4, $0x9  }
0x5b: {  	s3 =	sadd.s32 s3, s31;
	s5 =	simm.s32 @!p1 $0x0;
	s6 =	simm.s32 @!p1 $0x1800  }
0x5c: {  	[tilespmem:s6], [sflag:$0x2] =	stream.linear.gather @!p1 [hbm4b:s3+s5], $0x800, $0x38;
	[tilespmem:$0x24A0] =	vst v63  }
.LBB2_6:
0x5d: {  	s3 =	simm.s32 $0x1  }
0x5e: {  	_ =	swait.ge [sflag:s3], $0x800  }
0x5f: {  	[sflag:s3] =	ssyncset.done $0x0  }
0x60: {  	[sflag:s3] =	ssyncadd.s32 $0xFFFFF800  }
0x61: {  	_ =	swait.ge [sflag:s3], $0x800  }
0x62: {  	[sflag:s3] =	ssyncset.done $0x0  }
0x63: {  	s6 =	simm.s32 $0x0;
	[sflag:s3] =	ssyncadd.s32 $0xFFFFF800  }
0x64: {  	v4 =	vld [tilespmem:s6+$0x10C0]  }
0x65: {  	v5 =	vld [tilespmem:s6+$0xC0]  }
0x66: {  	v6 =	vld [tilespmem:s6+$0x10D0]  }
0x67: {  	v7 =	vld [tilespmem:s6+$0xD0]  }
0x68: {  	v0 =	vld [tilespmem:s6+$0x10E0]  }
0x69: {  	v1 =	vld [tilespmem:s6+$0xE0]  }
0x6a: {  	v14 =	vld [tilespmem:s6+$0x1080]  }
0x6b: {  	v16 =	vld [tilespmem:s6+$0x80]  }
0x6c: {  	v11 =	vld [tilespmem:s6+$0x1090]  }
0x6d: {  	v12 =	vld [tilespmem:s6+$0x90]  }
0x6e: {  	v2 =	vld [tilespmem:s6+$0x10A0]  }
0x6f: {  	v3 =	vld [tilespmem:s6+$0xA0]  }
0x70: {  	v18 =	vld [tilespmem:s6+$0x1040]  }
0x71: {  	v19 =	vld [tilespmem:s6+$0x40]  }
0x72: {  	v20 =	vld [tilespmem:s6+$0x1050]  }
0x73: {  	v21 =	vld [tilespmem:s6+$0x50]  }
0x74: {  	v15 =	vld [tilespmem:s6+$0x1060]  }
0x75: {  	v17 =	vld [tilespmem:s6+$0x60]  }
0x76: {  	v22 =	vld [tilespmem:s6+$0x1000]  }
0x77: {  	v23 =	vld [tilespmem:s6+$0x0]  }
0x78: {  	v24 =	vld [tilespmem:s6+$0x1010]  }
0x79: {  	v26 =	vld [tilespmem:s6+$0x10]  }
0x7a: {  	v25 =	vld [tilespmem:s6+$0x1020]  }
0x7b: {  	v8 =	vimm.f32 $0.0e+00;
	v27 =	vld [tilespmem:s6+$0x20]  }
0x7c: {  	s5 =	sadd.s32 s9, s2;
	s7 =	simm.s32 $0x400;
	v13 =	vimm.f32 $0.0e+00;
	v9 =	vimm.f32 $0.0e+00;
	v10 =	vimm.f32 $0.0e+00;
	s3 =	sadd.s32 s10, s2;
	v28 =	vld [tilespmem:s6+$0x1030]  }
.LBB2_7:
0x7d: {  	p1 =	sne.s32 s7, $0x1C00;
	v29 =	vld [tilespmem:s6+$0x30]  }
0x7e: {  	v31 =	vmul.f32 v5, v4;
	v32 =	vmul.f32 v7, v6;
	v30 =	vld [tilespmem:s6+$0x1070]  }
0x7f: {  	v14 =	vmul.f32 v16, v14;
	v11 =	vmul.f32 v12, v11;
	v5 =	vld [tilespmem:s6+$0x70]  }
0x80: {  	v6 =	vmul.f32 v19, v18;
	v7 =	vmul.f32 v21, v20;
	v12 =	vld [tilespmem:s6+$0x10B0]  }
0x81: {  	v4 =	vmul.f32 v23, v22;
	v16 =	vmul.f32 v26, v24;
	v18 =	vld [tilespmem:s6+$0xB0]  }
0x82: {  	v19 =	vmul.f32 v27, v25;
	v20 =	vmul.f32 v29, v28;
	v21 =	vld [tilespmem:s6+$0x10F0]  }
0x83: {  	v15 =	vmul.f32 v17, v15;
	v8 =	vadd.f32 v4, v8;
	v13 =	vadd.f32 v16, v13;
	v16 =	vld [tilespmem:s6+$0xF0];
	s6 =	sshra.s32 s7, $0x2  }
0x84: {  	v9 =	vadd.f32 v19, v9;
	v4 =	vld [tilespmem:s6+$0x10C0];
	v10 =	vadd.f32 v20, v10;
	v17 =	vmul.f32 v5, v30  }
0x85: {  	v2 =	vmul.f32 v3, v2;
	v8 =	vadd.f32 v6, v8;
	v13 =	vadd.f32 v7, v13;
	v5 =	vld [tilespmem:s6+$0xC0]  }
0x86: {  	v3 =	vadd.f32 v15, v9;
	v6 =	vld [tilespmem:s6+$0x10D0];
	v9 =	vadd.f32 v17, v10;
	v10 =	vmul.f32 v18, v12  }
0x87: {  	v8 =	vadd.f32 v14, v8;
	v11 =	vadd.f32 v11, v13;
	v12 =	vmul.f32 v1, v0;
	v7 =	vld [tilespmem:s6+$0xD0]  }
0x88: {  	v2 =	vadd.f32 v2, v3;
	v0 =	vld [tilespmem:s6+$0x10E0];
	v3 =	vadd.f32 v10, v9;
	v10 =	vmul.f32 v16, v21  }
0x89: {  	v8 =	vadd.f32 v31, v8;
	v13 =	vadd.f32 v32, v11;
	v1 =	vld [tilespmem:s6+$0xE0]  }
0x8a: {  	v9 =	vadd.f32 v12, v2;
	v14 =	vld [tilespmem:s6+$0x1080];
	v10 =	vadd.f32 v10, v3  }
0x8b: {  	v16 =	vld [tilespmem:s6+$0x80]  }
0x8c: {  	v11 =	vld [tilespmem:s6+$0x1090]  }
0x8d: {  	v12 =	vld [tilespmem:s6+$0x90]  }
0x8e: {  	v2 =	vld [tilespmem:s6+$0x10A0]  }
0x8f: {  	v3 =	vld [tilespmem:s6+$0xA0]  }
0x90: {  	v18 =	vld [tilespmem:s6+$0x1040]  }
0x91: {  	v19 =	vld [tilespmem:s6+$0x40]  }
0x92: {  	v20 =	vld [tilespmem:s6+$0x1050]  }
0x93: {  	v21 =	vld [tilespmem:s6+$0x50]  }
0x94: {  	v15 =	vld [tilespmem:s6+$0x1060]  }
0x95: {  	v17 =	vld [tilespmem:s6+$0x60]  }
0x96: {  	v22 =	vld [tilespmem:s6+$0x1000]  }
0x97: {  	v23 =	vld [tilespmem:s6+$0x0]  }
.Ltmp4:
0x98: {  	v24 =	vld [tilespmem:s6+$0x1010];
	(pc) =	sbr.rel @p1 .LBB2_7-.Ltmp4, $4  }
0x99: {  	v26 =	vld [tilespmem:s6+$0x10]  }
0x9a: {  	v25 =	vld [tilespmem:s6+$0x1020]  }
0x9b: {  	v27 =	vld [tilespmem:s6+$0x20]  }
0x9c: {  	s7 =	sadd.s32 $0x400, s7;
	v28 =	vld [tilespmem:s6+$0x1030]  }
0x9d: {  	v29 =	vld [tilespmem:s6+$0x30];
	v4 =	vmul.f32 v5, v4  }
0x9e: {  	v30 =	vld [tilespmem:s6+$0x1070];
	v61 =	vmul.f32 v7, v6;
	v63 =	vmul.f32 v16, v14  }
0x9f: {  	v62 =	vld [tilespmem:s6+$0x70];
	v31 =	vmul.f32 v19, v18;
	v32 =	vmul.f32 v21, v20  }
0xa0: {  	v33 =	vld [tilespmem:s6+$0x10B0];
	v34 =	vmul.f32 v23, v22;
	v15 =	vmul.f32 v17, v15  }
0xa1: {  	v36 =	vld [tilespmem:s6+$0xB0];
	v11 =	vmul.f32 v12, v11;
	v2 =	vmul.f32 v3, v2  }
0xa2: {  	v39 =	vld [tilespmem:s6+$0x10F0];
	v43 =	vimm.s32 $0xFEDCBA98;
	v35 =	vmul.f32 v26, v24;
	v8 =	vadd.f32 v34, v8  }
0xa3: {  	v40 =	vld [tilespmem:s6+$0xF0];
	v45 =	vimm.s32 $0x76543210;
	v37 =	vmul.f32 v27, v25;
	v38 =	vmul.f32 v29, v28  }
0xa4: {  	v0 =	vmul.f32 v1, v0;
	v13 =	vadd.f32 v35, v13;
	v8 =	vadd.f32 v31, v8  }
0xa5: {  	v9 =	vadd.f32 v37, v9;
	v6 =	vmul.f32 v62, v30;
	v10 =	vadd.f32 v38, v10  }
0xa6: {  	v13 =	vadd.f32 v32, v13;
	v42 =	vmul.f32 v36, v33;
	v7 =	vadd.f32 v63, v8  }
0xa7: {  	v8 =	vunpack.c.l.s4.s8 v43;
	v41 =	vadd.f32 v15, v9;
	v6 =	vadd.f32 v6, v10  }
0xa8: {  	v47 =	vunpack.c.l.s4.s8 v45;
	v49 =	vmul.f32 v40, v39;
	v44 =	vadd.f32 v11, v13  }
0xa9: {  	v8 =	vunpack.c.0.s8.s32 v8;
	v46 =	vadd.f32 v2, v41;
	v48 =	vadd.f32 v42, v6  }
0xaa: {  	v4 =	vadd.f32 v4, v7;
	v5 =	vadd.f32 v61, v44;
	v2 =	vunpack.c.0.s8.s32 v47  }
0xab: {  	v51 =	vand.u32 $0xF, v8;
	v0 =	vadd.f32 v0, v46;
	v50 =	vadd.f32 v49, v48  }
0xac: {  	v2 =	vcombine.low v51, v2  }
0xad: {  	v52 =	vadd.f32 v5, v4;
	v0 =	vadd.f32 v50, v0  }
0xae: {  	v53 =	vimm.s32 $0xBA98FEDC;
	v54 =	vimm.s32 $0x32107654  }
0xaf: {  	v1 =	vunpack.c.l.s4.s8 v53;
	v55 =	vunpack.c.l.s4.s8 v54;
	v0 =	vadd.f32 v0, v52;
	_ =	sdelay $0x1  }
0xb0: {  	s29 =	simm.s32 $0x22A0;
	v1 =	vunpack.c.0.s8.s32 v1;
	v3 =	vunpack.c.0.s8.s32 v55;
	[tilespmem:$0x22A0] =	vst v0  }
0xb1: {  	v2 =	vld.idx.msk [tilespmem:v2+s29+$0x0], $0xffff  }
0xb2: {  	v1 =	vcombine.low v3, v1;
	_ =	sdelay $0x1  }
0xb3: {  	v1 =	vand.u32 $0xF, v1  }
0xb4: {  	v56 =	vimm.s32 $0xDCFE98BA;
	v57 =	vimm.s32 $0x54761032  }
0xb5: {  	v58 =	vunpack.c.l.s4.s8 v56;
	v59 =	vunpack.c.l.s4.s8 v57;
	v0 =	vadd.f32 v2, v0;
	_ =	sdelay $0x1  }
0xb6: {  	v3 =	vunpack.c.0.s8.s32 v59;
	v2 =	vunpack.c.0.s8.s32 v58;
	[tilespmem:$0x22A0] =	vst v0  }
0xb7: {  	v1 =	vld.idx.msk [tilespmem:v1+s29+$0x0], $0xffff  }
0xb8: {  	v2 =	vcombine.low v3, v2;
	_ =	sdelay $0x1  }
0xb9: {  	v2 =	vand.u32 $0xF, v2  }
0xba: {  	v60 =	vimm.s32 $0xEFCDAB89;
	v61 =	vimm.s32 $0x67452301  }
0xbb: {  	v62 =	vunpack.c.l.s4.s8 v60;
	v63 =	vunpack.c.l.s4.s8 v61;
	v0 =	vadd.f32 v1, v0;
	_ =	sdelay $0x1  }
0xbc: {  	v3 =	vunpack.c.0.s8.s32 v63;
	v1 =	vunpack.c.0.s8.s32 v62;
	[tilespmem:$0x22A0] =	vst v0  }
0xbd: {  	v2 =	vld.idx.msk [tilespmem:v2+s29+$0x0], $0xffff  }
0xbe: {  	v1 =	vcombine.low v3, v1;
	_ =	sdelay $0x1  }
0xbf: {  	v1 =	vand.u32 $0xF, v1;
	_ =	sdelay $0x1  }
0xc0: {  	v0 =	vadd.f32 v2, v0;
	_ =	sdelay $0x1  }
0xc1: {  	[tilespmem:$0x22A0] =	vst v0  }
0xc2: {  	v1 =	vld.idx.msk [tilespmem:v1+s29+$0x0], $0xffff;
	_ =	sdelay $0x4  }
0xc3: {  	v0 =	vadd.f32 v1, v0  }
0xc4: {  	p1 =	sne.s32 s4, $0xF  }
.Ltmp5:
0xc5: {  	s30 =	simm.s32 $0x2000;
	s31 =	simm.s32 $0x4;
	[tilespmem:$0x2000] =	vst v0;
	(pc) =	sbr.rel @p1 .LBB2_10-.Ltmp5, $4  }
0xc6: {  	[spmem:s5] =	stream.linear.scatter [tilespmem:s30], [sflag:$0x4], $0x10, $0x38;
	[tilespmem:$0x24A0] =	vst v63  }
0xc7: {  	_ =	swait.ge [sflag:s31], $0x10  }
0xc8: {  	[sflag:s31] =	ssyncset.done $0x0  }
0xc9: {  	[sflag:s31] =	ssyncadd.s32 $0xFFFFFFF0  }
.Ltmp6:
0xca: {  	(pc) =	sbr.rel .LBB2_14-.Ltmp6, $2  }
0xcb: {  	_ =	sdelay $0x1  }
0xcc: {  	[bflag:$0x0] =	sbarrier.arrive $0xFFFF;
	_ =	sdelay $0x1  }
.LBB2_10:
0xcd: {  	s4 =	simm.s32 $0x2  }
0xce: {  	_ =	swait.ge [sflag:s4], $0x800  }
0xcf: {  	[sflag:s4] =	ssyncset.done $0x0  }
0xd0: {  	[sflag:s4] =	ssyncadd.s32 $0xFFFFF800  }
0xd1: {  	_ =	swait.ge [sflag:s4], $0x800  }
0xd2: {  	[sflag:s4] =	ssyncset.done $0x0  }
0xd3: {  	[sflag:s4] =	ssyncadd.s32 $0xFFFFF800;
	s4 =	simm.s32 $0x0  }
0xd4: {  	v4 =	vld [tilespmem:s4+$0x18C0]  }
0xd5: {  	v5 =	vld [tilespmem:s4+$0x8C0]  }
0xd6: {  	v6 =	vld [tilespmem:s4+$0x18D0]  }
0xd7: {  	v7 =	vld [tilespmem:s4+$0x8D0]  }
0xd8: {  	v0 =	vld [tilespmem:s4+$0x18E0]  }
0xd9: {  	v1 =	vld [tilespmem:s4+$0x8E0]  }
0xda: {  	v14 =	vld [tilespmem:s4+$0x1880]  }
0xdb: {  	v16 =	vld [tilespmem:s4+$0x880]  }
0xdc: {  	v11 =	vld [tilespmem:s4+$0x1890]  }
0xdd: {  	v13 =	vld [tilespmem:s4+$0x890]  }
0xde: {  	v2 =	vld [tilespmem:s4+$0x18A0]  }
0xdf: {  	v3 =	vld [tilespmem:s4+$0x8A0]  }
0xe0: {  	v18 =	vld [tilespmem:s4+$0x1840]  }
0xe1: {  	v19 =	vld [tilespmem:s4+$0x840]  }
0xe2: {  	v20 =	vld [tilespmem:s4+$0x1850]  }
0xe3: {  	v21 =	vld [tilespmem:s4+$0x850]  }
0xe4: {  	v15 =	vld [tilespmem:s4+$0x1860]  }
0xe5: {  	v17 =	vld [tilespmem:s4+$0x860]  }
0xe6: {  	v22 =	vld [tilespmem:s4+$0x1800]  }
0xe7: {  	v23 =	vld [tilespmem:s4+$0x800]  }
0xe8: {  	v24 =	vld [tilespmem:s4+$0x1810]  }
0xe9: {  	v26 =	vld [tilespmem:s4+$0x810]  }
0xea: {  	v25 =	vld [tilespmem:s4+$0x1820]  }
0xeb: {  	v10 =	vimm.f32 $0.0e+00;
	v27 =	vld [tilespmem:s4+$0x820]  }
0xec: {  	s5 =	simm.s32 $0x400;
	v12 =	vimm.f32 $0.0e+00;
	v8 =	vimm.f32 $0.0e+00;
	v9 =	vimm.f32 $0.0e+00;
	v28 =	vld [tilespmem:s4+$0x1830]  }
.LBB2_11:
0xed: {  	p1 =	sne.s32 s5, $0x1C00;
	v29 =	vld [tilespmem:s4+$0x830]  }
0xee: {  	v31 =	vmul.f32 v5, v4;
	v32 =	vmul.f32 v7, v6;
	v30 =	vld [tilespmem:s4+$0x1870]  }
0xef: {  	v14 =	vmul.f32 v16, v14;
	v11 =	vmul.f32 v13, v11;
	v5 =	vld [tilespmem:s4+$0x870]  }
0xf0: {  	v6 =	vmul.f32 v19, v18;
	v7 =	vmul.f32 v21, v20;
	v13 =	vld [tilespmem:s4+$0x18B0]  }
0xf1: {  	v4 =	vmul.f32 v23, v22;
	v16 =	vmul.f32 v26, v24;
	v18 =	vld [tilespmem:s4+$0x8B0]  }
0xf2: {  	v19 =	vmul.f32 v27, v25;
	v20 =	vmul.f32 v29, v28;
	v21 =	vld [tilespmem:s4+$0x18F0]  }
0xf3: {  	v15 =	vmul.f32 v17, v15;
	v10 =	vadd.f32 v4, v10;
	v12 =	vadd.f32 v16, v12;
	v16 =	vld [tilespmem:s4+$0x8F0];
	s4 =	sshra.s32 s5, $0x2  }
0xf4: {  	v8 =	vadd.f32 v19, v8;
	v4 =	vld [tilespmem:s4+$0x18C0];
	v9 =	vadd.f32 v20, v9;
	v17 =	vmul.f32 v5, v30  }
0xf5: {  	v2 =	vmul.f32 v3, v2;
	v10 =	vadd.f32 v6, v10;
	v12 =	vadd.f32 v7, v12;
	v5 =	vld [tilespmem:s4+$0x8C0]  }
0xf6: {  	v3 =	vadd.f32 v15, v8;
	v6 =	vld [tilespmem:s4+$0x18D0];
	v8 =	vadd.f32 v17, v9;
	v9 =	vmul.f32 v18, v13  }
0xf7: {  	v10 =	vadd.f32 v14, v10;
	v11 =	vadd.f32 v11, v12;
	v13 =	vmul.f32 v1, v0;
	v7 =	vld [tilespmem:s4+$0x8D0]  }
0xf8: {  	v2 =	vadd.f32 v2, v3;
	v0 =	vld [tilespmem:s4+$0x18E0];
	v3 =	vadd.f32 v9, v8;
	v9 =	vmul.f32 v16, v21  }
0xf9: {  	v10 =	vadd.f32 v31, v10;
	v12 =	vadd.f32 v32, v11;
	v1 =	vld [tilespmem:s4+$0x8E0]  }
0xfa: {  	v8 =	vadd.f32 v13, v2;
	v14 =	vld [tilespmem:s4+$0x1880];
	v9 =	vadd.f32 v9, v3  }
0xfb: {  	v16 =	vld [tilespmem:s4+$0x880]  }
0xfc: {  	v11 =	vld [tilespmem:s4+$0x1890]  }
0xfd: {  	v13 =	vld [tilespmem:s4+$0x890]  }
0xfe: {  	v2 =	vld [tilespmem:s4+$0x18A0]  }
0xff: {  	v3 =	vld [tilespmem:s4+$0x8A0]  }
0x100: {  	v18 =	vld [tilespmem:s4+$0x1840]  }
0x101: {  	v19 =	vld [tilespmem:s4+$0x840]  }
0x102: {  	v20 =	vld [tilespmem:s4+$0x1850]  }
0x103: {  	v21 =	vld [tilespmem:s4+$0x850]  }
0x104: {  	v15 =	vld [tilespmem:s4+$0x1860]  }
0x105: {  	v17 =	vld [tilespmem:s4+$0x860]  }
0x106: {  	v22 =	vld [tilespmem:s4+$0x1800]  }
0x107: {  	v23 =	vld [tilespmem:s4+$0x800]  }
.Ltmp7:
0x108: {  	v24 =	vld [tilespmem:s4+$0x1810];
	(pc) =	sbr.rel @p1 .LBB2_11-.Ltmp7, $4  }
0x109: {  	v26 =	vld [tilespmem:s4+$0x810]  }
0x10a: {  	v25 =	vld [tilespmem:s4+$0x1820]  }
0x10b: {  	v27 =	vld [tilespmem:s4+$0x820]  }
0x10c: {  	s5 =	sadd.s32 $0x400, s5;
	v28 =	vld [tilespmem:s4+$0x1830]  }
0x10d: {  	v29 =	vld [tilespmem:s4+$0x830];
	v4 =	vmul.f32 v5, v4  }
0x10e: {  	v30 =	vld [tilespmem:s4+$0x1870];
	v60 =	vmul.f32 v7, v6;
	v62 =	vmul.f32 v16, v14  }
0x10f: {  	v61 =	vld [tilespmem:s4+$0x870];
	v63 =	vmul.f32 v19, v18;
	v31 =	vmul.f32 v21, v20  }
0x110: {  	v32 =	vld [tilespmem:s4+$0x18B0];
	v33 =	vmul.f32 v23, v22;
	v15 =	vmul.f32 v17, v15  }
0x111: {  	v35 =	vld [tilespmem:s4+$0x8B0];
	v11 =	vmul.f32 v13, v11;
	v2 =	vmul.f32 v3, v2  }
0x112: {  	v38 =	vld [tilespmem:s4+$0x18F0];
	v42 =	vimm.s32 $0xFEDCBA98;
	v0 =	vmul.f32 v1, v0;
	v34 =	vmul.f32 v26, v24  }
0x113: {  	v39 =	vld [tilespmem:s4+$0x8F0];
	v44 =	vimm.s32 $0x76543210;
	v36 =	vmul.f32 v27, v25;
	v37 =	vmul.f32 v29, v28  }
0x114: {  	v46 =	vunpack.c.l.s4.s8 v44;
	v10 =	vadd.f32 v33, v10;
	v12 =	vadd.f32 v34, v12  }
0x115: {  	v8 =	vadd.f32 v36, v8;
	v6 =	vmul.f32 v61, v30;
	v9 =	vadd.f32 v37, v9  }
0x116: {  	v10 =	vadd.f32 v63, v10;
	v12 =	vadd.f32 v31, v12;
	v41 =	vmul.f32 v35, v32  }
0x117: {  	v40 =	vadd.f32 v15, v8;
	v6 =	vadd.f32 v6, v9;
	v9 =	vunpack.c.l.s4.s8 v42  }
0x118: {  	v48 =	vmul.f32 v39, v38;
	v7 =	vadd.f32 v62, v10;
	v43 =	vadd.f32 v11, v12  }
0x119: {  	v45 =	vadd.f32 v2, v40;
	v47 =	vadd.f32 v41, v6;
	v49 =	vunpack.c.0.s8.s32 v9  }
0x11a: {  	v4 =	vadd.f32 v4, v7;
	v5 =	vadd.f32 v60, v43;
	v2 =	vunpack.c.0.s8.s32 v46  }
0x11b: {  	v0 =	vadd.f32 v0, v45;
	v50 =	vadd.f32 v48, v47;
	v51 =	vand.u32 $0xF, v49  }
0x11c: {  	v2 =	vcombine.low v51, v2  }
0x11d: {  	v52 =	vadd.f32 v5, v4;
	v0 =	vadd.f32 v50, v0  }
0x11e: {  	v53 =	vimm.s32 $0xBA98FEDC;
	v54 =	vimm.s32 $0x32107654  }
0x11f: {  	v1 =	vunpack.c.l.s4.s8 v53;
	v55 =	vunpack.c.l.s4.s8 v54;
	v0 =	vadd.f32 v0, v52;
	_ =	sdelay $0x1  }
0x120: {  	s30 =	simm.s32 $0x22A0;
	v1 =	vunpack.c.0.s8.s32 v1;
	v3 =	vunpack.c.0.s8.s32 v55;
	[tilespmem:$0x22A0] =	vst v0  }
0x121: {  	v2 =	vld.idx.msk [tilespmem:v2+s30+$0x0], $0xffff  }
0x122: {  	v1 =	vcombine.low v3, v1;
	_ =	sdelay $0x1  }
0x123: {  	v1 =	vand.u32 $0xF, v1  }
0x124: {  	v56 =	vimm.s32 $0xDCFE98BA;
	v57 =	vimm.s32 $0x54761032  }
0x125: {  	v58 =	vunpack.c.l.s4.s8 v56;
	v59 =	vunpack.c.l.s4.s8 v57;
	v0 =	vadd.f32 v2, v0;
	_ =	sdelay $0x1  }
0x126: {  	v3 =	vunpack.c.0.s8.s32 v59;
	v2 =	vunpack.c.0.s8.s32 v58;
	[tilespmem:$0x22A0] =	vst v0  }
0x127: {  	v1 =	vld.idx.msk [tilespmem:v1+s30+$0x0], $0xffff  }
0x128: {  	v2 =	vcombine.low v3, v2;
	_ =	sdelay $0x1  }
0x129: {  	v2 =	vand.u32 $0xF, v2  }
0x12a: {  	v61 =	vimm.s32 $0x67452301;
	v60 =	vimm.s32 $0xEFCDAB89  }
0x12b: {  	v63 =	vunpack.c.l.s4.s8 v61;
	v62 =	vunpack.c.l.s4.s8 v60;
	v0 =	vadd.f32 v1, v0;
	_ =	sdelay $0x1  }
0x12c: {  	v3 =	vunpack.c.0.s8.s32 v63;
	v1 =	vunpack.c.0.s8.s32 v62;
	[tilespmem:$0x22A0] =	vst v0  }
0x12d: {  	v2 =	vld.idx.msk [tilespmem:v2+s30+$0x0], $0xffff  }
0x12e: {  	v1 =	vcombine.low v3, v1;
	_ =	sdelay $0x1  }
0x12f: {  	v1 =	vand.u32 $0xF, v1;
	_ =	sdelay $0x1  }
0x130: {  	v0 =	vadd.f32 v2, v0;
	_ =	sdelay $0x1  }
0x131: {  	[tilespmem:$0x22A0] =	vst v0  }
0x132: {  	v1 =	vld.idx.msk [tilespmem:v1+s30+$0x0], $0xffff;
	_ =	sdelay $0x4  }
0x133: {  	v0 =	vadd.f32 v1, v0;
	_ =	sdelay $0x1  }
0x134: {  	s31 =	simm.s32 $0x2000;
	[tilespmem:$0x2000] =	vst v0  }
0x135: {  	[spmem:s3] =	stream.linear.scatter [tilespmem:s31], [sflag:$0x4], $0x10, $0x38;
	[tilespmem:$0x24A0] =	vst v63  }
0x136: {  	s3 =	simm.s32 $0x4  }
0x137: {  	_ =	swait.ge [sflag:s3], $0x10  }
0x138: {  	[sflag:s3] =	ssyncset.done $0x0  }
0x139: {  	[sflag:s3] =	ssyncadd.s32 $0xFFFFFFF0  }
0x13a: {  	[bflag:$0x0] =	sbarrier.arrive $0xFFFF  }
0x13b: {  	_ =	sfence.sel @p0 $0x180000  }
0x13c: {  	[bflag:$0x0] =	sbarrier.arrive @p0 $0xFFFF  }
0x13d: {  	_ =	strace @p0 $0x90000047  }
0x13e: {  	[bflag:$0x2] =	sbarrier.arrive @p0 $0xFFFF  }
0x13f: {  	_ =	shalt @p0  }
.LBB2_13:
0x140: {  	s4 =	simm.s32 $0x20A0  }
0x141: {  	[tilespmem:s4], [sflag:$0x4] =	stream.linear.gather [spmem:s2], $0x200, $0x38;
	[tilespmem:$0x24A0] =	vst v63  }
0x142: {  	_ =	swait.ge [sflag:s3], $0x200  }
0x143: {  	[sflag:s3] =	ssyncset.done $0x0  }
0x144: {  	s26 =	simm.s32 $0x3;
	[sflag:s3] =	ssyncadd.s32 $0xFFFFFE00  }
0x145: {  	_ =	swait.ge [sflag:s26], $0x1  }
0x146: {  	[sflag:s26] =	ssyncset.done $0x0  }
0x147: {  	[sflag:s26] =	ssyncadd.s32 $0xFFFFFFFF  }
0x148: {  	_ =	swait.ge [sflag:s26], $0x2  }
0x149: {  	[sflag:s26] =	ssyncset.done $0x0  }
0x14a: {  	[sflag:s26] =	ssyncadd.s32 $0xFFFFFFFE  }
0x14b: {  	_ =	swait.ge [sflag:s26], $0x4  }
0x14c: {  	[sflag:s26] =	ssyncset.done $0x0  }
0x14d: {  	[sflag:s26] =	ssyncadd.s32 $0xFFFFFFFC  }
0x14e: {  	_ =	swait.ge [sflag:s26], $0x1  }
0x14f: {  	[sflag:s26] =	ssyncset.done $0x0  }
0x150: {  	[sflag:s26] =	ssyncadd.s32 $0xFFFFFFFF  }
0x151: {  	_ =	swait.ge [sflag:s26], $0x2  }
0x152: {  	[sflag:s26] =	ssyncset.done $0x0  }
0x153: {  	[sflag:s26] =	ssyncadd.s32 $0xFFFFFFFE  }
0x154: {  	_ =	swait.ge [sflag:s26], $0x4  }
0x155: {  	[sflag:s26] =	ssyncset.done $0x0  }
0x156: {  	[sflag:s26] =	ssyncadd.s32 $0xFFFFFFFC  }
0x157: {  	_ =	swait.ge [sflag:s26], $0x8  }
0x158: {  	[sflag:s26] =	ssyncset.done $0x0  }
0x159: {  	[sflag:s26] =	ssyncadd.s32 $0xFFFFFFF8  }
0x15a: {  	v0 =	vld [tilespmem:$0x20A0]  }
0x15b: {  	v1 =	vld [tilespmem:$0x20B0]  }
0x15c: {  	v2 =	vld [tilespmem:$0x20C0]  }
0x15d: {  	v3 =	vld [tilespmem:$0x20D0]  }
0x15e: {  	v4 =	vld [tilespmem:$0x20E0]  }
0x15f: {  	v5 =	vld [tilespmem:$0x20F0]  }
0x160: {  	v6 =	vld [tilespmem:$0x2100]  }
0x161: {  	v7 =	vld [tilespmem:$0x2110]  }
0x162: {  	v8 =	vld [tilespmem:$0x2120]  }
0x163: {  	v27 =	vld [tilespmem:$0x2130]  }
0x164: {  	v9 =	vld [tilespmem:$0x2140]  }
0x165: {  	v28 =	vld [tilespmem:$0x2150]  }
0x166: {  	v10 =	vld [tilespmem:$0x2160]  }
0x167: {  	v29 =	vld [tilespmem:$0x2170]  }
0x168: {  	v11 =	vld [tilespmem:$0x2180]  }
0x169: {  	v30 =	vld [tilespmem:$0x2190];
	v0 =	vadd.f32 v1, v0  }
0x16a: {  	v12 =	vld [tilespmem:$0x21A0]  }
0x16b: {  	v31 =	vld [tilespmem:$0x21B0];
	v0 =	vadd.f32 v2, v0  }
0x16c: {  	v32 =	vld [tilespmem:$0x21C0]  }
0x16d: {  	v33 =	vld [tilespmem:$0x21D0];
	v0 =	vadd.f32 v3, v0  }
0x16e: {  	v40 =	vimm.s32 $0x21201828;
	v35 =	vld [tilespmem:$0x21E0]  }
0x16f: {  	v42 =	vimm.s32 $0x9080010;
	v13 =	vimm.s32 $0x2B2A2940;
	v36 =	vld [tilespmem:$0x21F0];
	v0 =	vadd.f32 v4, v0  }
0x170: {  	vm0 =	vcmask $0x1304;
	v16 =	vimm.s32 $0x13121140;
	vm1 =	vcmask $0x2314;
	v37 =	vld [tilespmem:$0x2200]  }
0x171: {  	vm8 =	vcmask $0x320;
	vm9 =	vcmask $0x720;
	v38 =	vld [tilespmem:$0x2210];
	v0 =	vadd.f32 v5, v0  }
0x172: {  	vm10 =	vcmask $0xB20;
	v39 =	vld [tilespmem:$0x2220];
	v1 =	vadd.f32 v9, v27;
	v34 =	vadd.f32 v30, v11  }
0x173: {  	vm11 =	vcmask $0xF20;
	v41 =	vld [tilespmem:$0x2230];
	v5 =	vunpack.c.0.s8.s32 v40;
	v0 =	vadd.f32 v6, v0  }
0x174: {  	v13 =	vunpack.c.0.s8.s32 v13;
	v14 =	vld [tilespmem:$0x2240];
	v1 =	vadd.f32 v28, v1;
	v2 =	vadd.f32 v12, v34  }
0x175: {  	v15 =	vld [tilespmem:$0x2260];
	v12 =	vunpack.c.0.s8.s32 v42;
	v5 =	vnsel vm0, $0x40, v5;
	v0 =	vadd.f32 v7, v0  }
0x176: {  	v44 =	vunpack.c.0.s8.s32 v16;
	v43 =	vld [tilespmem:$0x2270];
	v1 =	vadd.f32 v10, v1;
	v5 =	vsel vm1, v13, v5  }
0x177: {  	v46 =	vld [tilespmem:$0x2250];
	v2 =	vadd.f32 v31, v2;
	v45 =	vnsel vm0, $0x40, v12;
	v0 =	vadd.f32 v8, v0  }
0x178: {  	v48 =	vld [tilespmem:$0x2280];
	v47 =	vsel vm1, v44, v45;
	v1 =	vadd.f32 v29, v1;
	v4 =	vadd.f32 v35, v33  }
0x179: {  	v2 =	vadd.f32 v32, v2;
	v8 =	vadd.f32 v38, v37;
	v0 =	vsel vm8, $0x0, v0  }
0x17a: {  	s28 =	simm.s32 $0x23A0;
	v49 =	vadd.f32 v14, v41;
	v4 =	vadd.f32 v36, v4;
	v0 =	vsel vm9, v0, v1  }
0x17b: {  	v50 =	vadd.f32 v43, v15;
	v3 =	vadd.f32 v39, v8;
	v51 =	vld.idx.msk [tilespmem:v5+s28+$0x0], $0xffff;
	v0 =	vsel vm10, v0, v2  }
0x17c: {  	vm12 =	vcmask $0x1320;
	v52 =	vadd.f32 v46, v49;
	v0 =	vsel vm11, v0, v4  }
0x17d: {  	vm13 =	vcmask $0x1720;
	v53 =	vld.idx.msk [tilespmem:v47+s28+$0x0], $0xffff;
	v1 =	vadd.f32 v48, v50;
	v0 =	vsel vm12, v0, v3  }
0x17e: {  	vm14 =	vcmask $0x1B20;
	v0 =	vsel vm13, v0, v52  }
0x17f: {  	v0 =	vsel vm14, v0, v1  }
0x180: {  	v0 =	vadd.f32 v51, v0;
	_ =	sdelay $0x1  }
0x181: {  	v0 =	vmul.f32 v0, v53;
	_ =	sdelay $0x1  }
0x182: {  	v0 =	vsub.f32 $0.0e+00, v0;
	_ =	sdelay $0x1  }
0x183: {  	v0 =	vmul.f32 $1.442695020e+00, v0;
	_ =	sdelay $0x1  }
0x184: {  	(erf) = vpow2.f32 v0;
	_ =	sdelay $0x8  }
0x185: {  	v0 =	vpop (erf)  }
0x186: {  	v0 =	vadd.f32 $1.000000000e+00, v0;
	_ =	sdelay $0x1  }
0x187: {  	(erf) = vrcp.f32 v0;
	_ =	sdelay $0x5  }
0x188: {  	v54 =	vimm.s32 $0x1;
	v55 =	vimm.s32 $0x3;
	vm15 =	vcmask $0xF00  }
0x189: {  	v57 =	vlaneseq.u32;
	v1 =	vsel vm15, $0x2, v55  }
0x18a: {  	vm4 =	vmmov $0xf;
	v59 =	vimm.s32 $0x33323130;
	v2 =	vshrl.u32 v57, $0x1  }
0x18b: {  	v61 =	vimm.s32 $0x37363534;
	vm5 =	vcmask $0x1710;
	v2 =	vadd.s32 $0x4, v2;
	v56 =	vpop (erf)  }
0x18c: {  	s29 =	simm.s32 $0x2320;
	vm2 =	vcmask $0x700;
	vm6 =	vcmask $0x1F10;
	vm7 =	vcmask $0xB08;
	[tilespmem:$0x2320] =	vst v56  }
0x18d: {  	vm3 =	vcmask $0x2720;
	vm8 =	vcmask $0x300;
	v3 =	vunpack.c.0.s8.s32 v59;
	v0 =	vld.idx.msk [tilespmem:v54+s29+$0x0], $0xffff  }
0x18e: {  	v5 =	vunpack.c.0.s8.s32 v61;
	vm0 =	vmor vm8, vm7;
	vm9 =	vcmask $0x1310;
	v1 =	vld.idx.msk [tilespmem:v1+s29+$0x0], $0xffff  }
0x18f: {  	vm0 =	vmor vm0, vm9;
	vm10 =	vcmask $0x1B18;
	v3 =	vnsel vm15, $0x40, v3  }
0x190: {  	vm0 =	vmor vm0, vm10;
	vm12 =	vcmask $0x2320;
	v3 =	vsel vm6, v5, v3;
	v2 =	vld.idx.msk [tilespmem:v2+s29+$0x0], $0xffff  }
0x191: {  	vm1 =	vmor vm2, vm5;
	vm0 =	vmor vm0, vm12;
	vm13 =	vcmask $0x2B28  }
0x192: {  	vm1 =	vmor vm1, vm3;
	vm11 =	vcmask $0x3730;
	vm0 =	vmor vm0, vm13  }
0x193: {  	vm14 =	vcmask $0x3330;
	v58 =	vsub.f32 $1.000000000e+00, v0;
	v60 =	vsub.f32 $1.000000000e+00, v1  }
0x194: {  	vm1 =	vmor vm1, vm11;
	vm15 =	vcmask $0x3B38;
	vm0 =	vmor vm0, vm14  }
0x195: {  	v3 =	vld.idx.msk [tilespmem:v3+s28+$0x0], $0xffff;
	v62 =	vsub.f32 $1.000000000e+00, v2;
	v0 =	vsel vm4, v58, v0;
	v1 =	vsel vm1, v60, v1  }
0x196: {  	vm0 =	vmor vm0, vm15;
	v0 =	vmul.f32 v1, v0  }
0x197: {  	v63 =	vsel vm0, v62, v2  }
0x198: {  	v0 =	vmul.f32 v63, v0;
	_ =	sdelay $0x1  }
0x199: {  	v0 =	vmul.f32 v0, v3;
	_ =	sdelay $0x1  }
0x19a: {  	s30 =	simm.s32 $0x0;
	s31 =	simm.s32 $0x2420;
	[tilespmem:$0x2420] =	vst v0  }
0x19b: {  	[hbm4b:s1+s30] =	stream.linear.scatter [tilespmem:s31], [sflag:$0x4], $0x8, $0x38;
	[tilespmem:$0x24A0] =	vst v63  }
0x19c: {  	_ =	swait.ge [sflag:s3], $0x8  }
0x19d: {  	[sflag:s3] =	ssyncset.done $0x0  }
0x19e: {  	[sflag:s3] =	ssyncadd.s32 $0xFFFFFFF8  }
.LBB2_14:
0x19f: {  	_ =	sfence.sel $0x180000  }
0x1a0: {  	[bflag:$0x0] =	sbarrier.arrive $0xFFFF  }
0x1a1: {  	_ =	strace $0x90000047  }
0x1a2: {  	s0 =	sadd.s32 @!p0 $0x100000, s0;
	[bflag:$0x2] =	sbarrier.arrive $0xFFFF  }
0x1a3: {  	[sflag:s0] =	ssyncadd.tile.s32 @!p0 $0x1;
	_ =	shalt  }
.Lfunc_end2:
_tile_overlayer_lowered:
.L_overlay_start_2:
0x1a4: {  	(tag) =	ssettag $0x2  }
0x1a5: {  	s0 =	rddreg [dreg:$0x0];
	s2 =	stileid.u32  }
0x1a6: {  	s1 =	rddreg [dreg:$0x1];
	p0 =	sne.s32 s2, $0x0  }
0x1a7: {  	s3 =	rddreg [dreg:$0x2];
	[bflag:$0x3] =	sbarrier.arrive $0xFFFF;
	s2 =	simm.s32 @!p0 $0x1C04  }
0x1a8: {  	[timem:s3], [sflag:s2] =	dma.local @!p0 [hbm:s0], s1  }
0x1a9: {  	s0 =	simm.s32 @!p0 $0x4  }
0x1aa: {  	_ =	swait.ge @!p0 [sflag:s0], s1  }
0x1ab: {  	s1 =	ssub.s32 @!p0 $0x0, s1;
	[sflag:s0] =	ssyncset.done @!p0 $0x0  }
0x1ac: {  	[sflag:s0] =	ssyncadd.s32 @!p0 s1  }
0x1ad: {  	[bflag:$0x3] =	sbarrier.arrive $0xFFFF  }
0x1ae: {  	_ =	shalt  }

</sc_bundles>
